<compile_context>
chip_gen: v7x
topology: tpu7x:2x2x1
jax: 0.10.2.dev20260603
libtpu: 0.0.44.dev20260713+nightly
codegen_flags: <defaults>
</compile_context>

<pallas_src>
import functools

import jax
import jax.numpy as jnp
from jax import lax
from jax.experimental import pallas as pl
from jax.experimental.pallas import tpu as pltpu
from jax.experimental.pallas import tpu_sc as plsc

_ROWS = 16384
_COLS = 200
_D = 16
_NW = 32
_IW = _ROWS // _NW
_ISEG = 512
_JT = 4
_NSEG = _IW // _ISEG
_NUNIT = (_COLS // _JT) * _NSEG

_GDN = lax.GatherDimensionNumbers(
    offset_dims=(), collapsed_slice_dims=(0,), start_index_map=(0,))


def _vgather(src, idx):
    return lax.gather(src, idx[:, None], _GDN, slice_sizes=(1,),
                      mode=lax.GatherScatterMode.PROMISE_IN_BOUNDS)


@functools.partial(
    pl.kernel,
    mesh=plsc.VectorSubcoreMesh(core_axis_name="c", subcore_axis_name="s"),
    compiler_params=pltpu.CompilerParams(needs_layout_passes=False),
    out_type=jax.ShapeDtypeStruct((_COLS, _D, _ROWS), jnp.float32),
    scratch_types=[
        pltpu.VMEM((256,), jnp.float32),
        pltpu.VMEM((_JT, _ISEG), jnp.int32),
        pltpu.VMEM((_JT, _ISEG), jnp.int32),
        pltpu.VMEM((_JT, _D, _ISEG), jnp.float32),
        pltpu.VMEM((_JT, _D, _ISEG), jnp.float32),
        pltpu.SemaphoreType.DMA,
        pltpu.SemaphoreType.DMA,
        pltpu.SemaphoreType.DMA,
        pltpu.SemaphoreType.DMA,
    ],
)
def _emb_lookup(tab_hbm, idxt_hbm, out_hbm,
                tab_v, idx0, idx1, blk0, blk1, si0, si1, so0, so1):
    wid = lax.axis_index("s") * 2 + lax.axis_index("c")
    i_lo = wid * _IW
    idxs = (idx0, idx1)
    blks = (blk0, blk1)
    sis = (si0, si1)
    sos = (so0, so1)

    pltpu.sync_copy(tab_hbm, tab_v)
    tcol = [tab_v[pl.ds(k * 16, 16)] for k in range(_D)]

    def unit_slices(u):
        uc = lax.min(u, _NUNIT - 1)
        jt = uc // _NSEG
        i0 = i_lo + (uc % _NSEG) * _ISEG
        return pl.ds(jt * _JT, _JT), pl.ds(i0, _ISEG)

    def idx_fetch(u, b):
        js, is_ = unit_slices(u)
        pltpu.async_copy(idxt_hbm.at[js, is_], idxs[b], sis[b])

    idx_fetch(0, 0)
    idx_fetch(1, 1)

    def unit_body(u, carry):
        for b in range(2):
            uu = u * 2 + b
            js, is_ = unit_slices(uu)
            pltpu.make_async_copy(
                idxt_hbm.at[js, is_], idxs[b], sis[b]).wait()

            @pl.when(u > 0)
            def _():
                pltpu.make_async_copy(
                    blks[b], out_hbm.at[js, :, is_], sos[b]).wait()

            idx_v, blk = idxs[b], blks[b]

            def j_body(j, c1):
                def iv_body(iv, c2):
                    idxv = idx_v[j, pl.ds(iv * 16, 16)]
                    for k in range(_D):
                        blk[j, k, pl.ds(iv * 16, 16)] = _vgather(
                            tcol[k], idxv)
                    return c2
                lax.fori_loop(0, _ISEG // 16, iv_body, 0, unroll=2)
                return c1
            lax.fori_loop(0, _JT, j_body, 0)

            pltpu.async_copy(blk, out_hbm.at[js, :, is_], sos[b])
            idx_fetch(uu + 2, b)
        return carry

    lax.fori_loop(0, _NUNIT // 2, unit_body, 0)

    for b in range(2):
        js, is_ = unit_slices(_NUNIT - 2 + b)
        pltpu.make_async_copy(
            idxt_hbm.at[js, is_], idxs[b], sis[b]).wait()
        pltpu.make_async_copy(
            blks[b], out_hbm.at[js, :, is_], sos[b]).wait()


def kernel(regime_id, table):
    idx_t = jnp.transpose(regime_id).astype(jnp.int32)
    tab_t = jnp.pad(jnp.transpose(table), ((0, 0), (0, 12)))
    out_t = _emb_lookup(tab_t.reshape(256), idx_t)
    return jnp.transpose(out_t, (2, 0, 1))

# --- scband reference (transcript-rebuilt; emitter-appended) ---
"""Pipeline reference for scband-regime-embedding-6090263626421 (READ-ONLY COPY).

The authoritative reference and input builder live on the scoring server;
editing this copy changes nothing except your own understanding.
"""

import jax, jax.numpy as jnp
import numpy as np

def setup_inputs(seed: int = 0) -> dict:
    key = jax.random.key(seed)
    k1, k2 = jax.random.split(key)
    regime_id = jax.random.randint(k1, (16384, 200), 0, 4, dtype=jnp.int64)
    # nn.Embedding default init: N(0, 1)
    table = jax.random.normal(k2, (4, 16), dtype=jnp.float32)
    return {"regime_id": regime_id, "table": table}

def reference(regime_id, table):
    return jnp.take(table, regime_id, axis=0)

if __name__ == "__main__":
    import jax
    _d = setup_inputs()
    print(jax.jit(kernel)(*tuple(_d.values())))

</pallas_src>

<mosaic_0001>
#map = affine_map<(d0, d1) -> (0)>
#map1 = affine_map<(d0, d1) -> (0, 0)>
#map2 = affine_map<(d0, d1) -> (0, 0, 0)>
module attributes {stable_mosaic.version = 14 : i64} {
  func.func @_emb_lookup(%arg0: i32, %arg1: i32, %arg2: memref<256xf32, #tpu.memory_space<hbm>>, %arg3: memref<200x16384xi32, #tpu.memory_space<hbm>>, %arg4: memref<200x16x16384xf32, #tpu.memory_space<hbm>>, %arg5: memref<256xf32, #tpu.memory_space<vmem>>, %arg6: memref<4x512xi32, #tpu.memory_space<vmem>>, %arg7: memref<4x512xi32, #tpu.memory_space<vmem>>, %arg8: memref<4x16x512xf32, #tpu.memory_space<vmem>>, %arg9: memref<4x16x512xf32, #tpu.memory_space<vmem>>, %arg10: memref<!tpu.dma_semaphore, #tpu.memory_space<semaphore_mem>>, %arg11: memref<!tpu.dma_semaphore, #tpu.memory_space<semaphore_mem>>, %arg12: memref<!tpu.dma_semaphore, #tpu.memory_space<semaphore_mem>>, %arg13: memref<!tpu.dma_semaphore, #tpu.memory_space<semaphore_mem>>) attributes {dimension_semantics = [#tpu.dimension_semantics<core_parallel>, #tpu.dimension_semantics<subcore_parallel>], iteration_bounds = array<i64: 2, 16>, scalar_prefetch = 0 : i64, scratch_operands = 9 : i64, tpu.core_type = #tpu.core_type<sc_vector_subcore>, window_params = [{transform_indices = #map}, {transform_indices = #map1}, {transform_indices = #map2}]} {
    %mul3A = arith.constant 2 : i32
    %mul3A_0 = arith.muli %arg1, %mul3A : i32
    %add3A = arith.addi %mul3A_0, %arg0 : i32
    %mul3A_1 = arith.constant 512 : i32
    %mul3A_2 = arith.muli %add3A, %mul3A_1 : i32
    "tpu.region"() ({
      %run_scoped3A = tpu.sem_alloc : memref<!tpu.dma_semaphore, #tpu.memory_space<semaphore_mem>>
      tpu.enqueue_dma source(%arg2 : memref<256xf32, #tpu.memory_space<hbm>>) target(%arg5 : memref<256xf32, #tpu.memory_space<vmem>>) target_semaphore(%run_scoped3A : memref<!tpu.dma_semaphore, #tpu.memory_space<semaphore_mem>>)
      tpu.wait_dma2 semaphore(%run_scoped3A : memref<!tpu.dma_semaphore, #tpu.memory_space<semaphore_mem>>) src(%arg2 : memref<256xf32, #tpu.memory_space<hbm>>) dst(%arg5 : memref<256xf32, #tpu.memory_space<vmem>>)
      tpu.yield
    }) : () -> ()
    %get3A = arith.constant 0 : index
    %get3A_3 = tpu.vector_load %arg5[%get3A] {strides = array<i32>} : memref<256xf32, #tpu.memory_space<vmem>>, vector<16xf32>,
    %get3A_4 = arith.constant 16 : index
    %get3A_5 = tpu.vector_load %arg5[%get3A_4] {strides = array<i32>} : memref<256xf32, #tpu.memory_space<vmem>>, vector<16xf32>,
    %get3A_6 = arith.constant 32 : index
    %get3A_7 = tpu.vector_load %arg5[%get3A_6] {strides = array<i32>} : memref<256xf32, #tpu.memory_space<vmem>>, vector<16xf32>,
    %get3A_8 = arith.constant 48 : index
    %get3A_9 = tpu.vector_load %arg5[%get3A_8] {strides = array<i32>} : memref<256xf32, #tpu.memory_space<vmem>>, vector<16xf32>,
    %get3A_10 = arith.constant 64 : index
    %get3A_11 = tpu.vector_load %arg5[%get3A_10] {strides = array<i32>} : memref<256xf32, #tpu.memory_space<vmem>>, vector<16xf32>,
    %get3A_12 = arith.constant 80 : index
    %get3A_13 = tpu.vector_load %arg5[%get3A_12] {strides = array<i32>} : memref<256xf32, #tpu.memory_space<vmem>>, vector<16xf32>,
    %get3A_14 = arith.constant 96 : index
    %get3A_15 = tpu.vector_load %arg5[%get3A_14] {strides = array<i32>} : memref<256xf32, #tpu.memory_space<vmem>>, vector<16xf32>,
    %get3A_16 = arith.constant 112 : index
    %get3A_17 = tpu.vector_load %arg5[%get3A_16] {strides = array<i32>} : memref<256xf32, #tpu.memory_space<vmem>>, vector<16xf32>,
    %get3A_18 = arith.constant 128 : index
    %get3A_19 = tpu.vector_load %arg5[%get3A_18] {strides = array<i32>} : memref<256xf32, #tpu.memory_space<vmem>>, vector<16xf32>,
    %get3A_20 = arith.constant 144 : index
    %get3A_21 = tpu.vector_load %arg5[%get3A_20] {strides = array<i32>} : memref<256xf32, #tpu.memory_space<vmem>>, vector<16xf32>,
    %get3A_22 = arith.constant 160 : index
    %get3A_23 = tpu.vector_load %arg5[%get3A_22] {strides = array<i32>} : memref<256xf32, #tpu.memory_space<vmem>>, vector<16xf32>,
    %get3A_24 = arith.constant 176 : index
    %get3A_25 = tpu.vector_load %arg5[%get3A_24] {strides = array<i32>} : memref<256xf32, #tpu.memory_space<vmem>>, vector<16xf32>,
    %get3A_26 = arith.constant 192 : index
    %get3A_27 = tpu.vector_load %arg5[%get3A_26] {strides = array<i32>} : memref<256xf32, #tpu.memory_space<vmem>>, vector<16xf32>,
    %get3A_28 = arith.constant 208 : index
    %get3A_29 = tpu.vector_load %arg5[%get3A_28] {strides = array<i32>} : memref<256xf32, #tpu.memory_space<vmem>>, vector<16xf32>,
    %get3A_30 = arith.constant 224 : index
    %get3A_31 = tpu.vector_load %arg5[%get3A_30] {strides = array<i32>} : memref<256xf32, #tpu.memory_space<vmem>>, vector<16xf32>,
    %get3A_32 = arith.constant 240 : index
    %get3A_33 = tpu.vector_load %arg5[%get3A_32] {strides = array<i32>} : memref<256xf32, #tpu.memory_space<vmem>>, vector<16xf32>,
    %min3A = arith.constant 0 : i32
    %min3A_34 = arith.constant 49 : i32
    %min3A_35 = arith.minsi %min3A, %min3A_34 : i32
    %jit3A = arith.constant 1 : i32
    %div3A = arith.divsi %min3A_35, %jit3A : i32
    %sign3A = arith.constant 0 : i32
    %sign3A_36 = arith.cmpi sgt, %min3A_35, %sign3A : i32
    %sign3A_37 = arith.extui %sign3A_36 : i1 to i32
    %sign3A_38 = arith.constant 0 : i32
    %sign3A_39 = arith.cmpi slt, %min3A_35, %sign3A_38 : i32
    %sign3A_40 = arith.extui %sign3A_39 : i1 to i32
    %sign3A_41 = arith.subi %sign3A_37, %sign3A_40 : i32
    %sign3A_42 = arith.constant 0 : i32
    %sign3A_43 = arith.cmpi sgt, %jit3A, %sign3A_42 : i32
    %sign3A_44 = arith.extui %sign3A_43 : i1 to i32
    %sign3A_45 = arith.constant 0 : i32
    %sign3A_46 = arith.cmpi slt, %jit3A, %sign3A_45 : i32
    %sign3A_47 = arith.extui %sign3A_46 : i1 to i32
    %sign3A_48 = arith.subi %sign3A_44, %sign3A_47 : i32
    %ne3A = arith.cmpi ne, %sign3A_41, %sign3A_48 : i32
    %rem3A = arith.remsi %min3A_35, %jit3A : i32
    %ne3A_49 = arith.constant 0 : i32
    %ne3A_50 = arith.cmpi ne, %rem3A, %ne3A_49 : i32
    %and3A = arith.andi %ne3A, %ne3A_50 : i1
    %sub3A = arith.constant 1 : i32
    %sub3A_51 = arith.subi %div3A, %sub3A : i32
    %select_n3A = arith.select %and3A, %sub3A_51, %div3A : i32
    %jit3A_52 = arith.constant 1 : i32
    %eq3A = arith.constant 0 : i32
    %eq3A_53 = arith.cmpi eq, %jit3A_52, %eq3A : i32
    %jit3A_54 = arith.constant 1 : i32
    %select_n3A_55 = arith.select %eq3A_53, %jit3A_54, %jit3A_52 : i32
    %rem3A_56 = arith.remsi %min3A_35, %select_n3A_55 : i32
    %ne3A_57 = arith.constant 0 : i32
    %ne3A_58 = arith.cmpi ne, %rem3A_56, %ne3A_57 : i32
    %lt3A = arith.constant 0 : i32
    %lt3A_59 = arith.cmpi slt, %rem3A_56, %lt3A : i32
    %lt3A_60 = arith.constant 0 : i32
    %lt3A_61 = arith.cmpi slt, %select_n3A_55, %lt3A_60 : i32
    %ne3A_62 = arith.xori %lt3A_59, %lt3A_61 : i1
    %and3A_63 = arith.andi %ne3A_62, %ne3A_58 : i1
    %add3A_64 = arith.addi %rem3A_56, %select_n3A_55 : i32
    %select_n3A_65 = arith.select %and3A_63, %add3A_64, %rem3A_56 : i32
    %mul3A_66 = arith.constant 512 : i32
    %mul3A_67 = arith.muli %select_n3A_65, %mul3A_66 : i32
    %add3A_68 = arith.addi %mul3A_2, %mul3A_67 : i32
    %mul3A_69 = arith.constant 4 : i32
    %mul3A_70 = arith.muli %select_n3A, %mul3A_69 : i32
    %dma_start3A = tpu.memref_slice %arg3[%mul3A_70, %add3A_68] : memref<200x16384xi32, #tpu.memory_space<hbm>> -> memref<4x512xi32, #tpu.memory_space<hbm>>
    %dma_start3A_71 = tpu.memref_slice %arg3[%mul3A_70, %add3A_68] : memref<200x16384xi32, #tpu.memory_space<hbm>> -> memref<4x512xi32, #tpu.memory_space<hbm>>
    tpu.enqueue_dma source(%dma_start3A_71 : memref<4x512xi32, #tpu.memory_space<hbm>>) target(%arg6 : memref<4x512xi32, #tpu.memory_space<vmem>>) target_semaphore(%arg10 : memref<!tpu.dma_semaphore, #tpu.memory_space<semaphore_mem>>)
    %min3A_72 = arith.constant 1 : i32
    %min3A_73 = arith.constant 49 : i32
    %min3A_74 = arith.minsi %min3A_72, %min3A_73 : i32
    %jit3A_75 = arith.constant 1 : i32
    %div3A_76 = arith.divsi %min3A_74, %jit3A_75 : i32
    %sign3A_77 = arith.constant 0 : i32
    %sign3A_78 = arith.cmpi sgt, %min3A_74, %sign3A_77 : i32
    %sign3A_79 = arith.extui %sign3A_78 : i1 to i32
    %sign3A_80 = arith.constant 0 : i32
    %sign3A_81 = arith.cmpi slt, %min3A_74, %sign3A_80 : i32
    %sign3A_82 = arith.extui %sign3A_81 : i1 to i32
    %sign3A_83 = arith.subi %sign3A_79, %sign3A_82 : i32
    %sign3A_84 = arith.constant 0 : i32
    %sign3A_85 = arith.cmpi sgt, %jit3A_75, %sign3A_84 : i32
    %sign3A_86 = arith.extui %sign3A_85 : i1 to i32
    %sign3A_87 = arith.constant 0 : i32
    %sign3A_88 = arith.cmpi slt, %jit3A_75, %sign3A_87 : i32
    %sign3A_89 = arith.extui %sign3A_88 : i1 to i32
    %sign3A_90 = arith.subi %sign3A_86, %sign3A_89 : i32
    %ne3A_91 = arith.cmpi ne, %sign3A_83, %sign3A_90 : i32
    %rem3A_92 = arith.remsi %min3A_74, %jit3A_75 : i32
    %ne3A_93 = arith.constant 0 : i32
    %ne3A_94 = arith.cmpi ne, %rem3A_92, %ne3A_93 : i32
    %and3A_95 = arith.andi %ne3A_91, %ne3A_94 : i1
    %sub3A_96 = arith.constant 1 : i32
    %sub3A_97 = arith.subi %div3A_76, %sub3A_96 : i32
    %select_n3A_98 = arith.select %and3A_95, %sub3A_97, %div3A_76 : i32
    %jit3A_99 = arith.constant 1 : i32
    %eq3A_100 = arith.constant 0 : i32
    %eq3A_101 = arith.cmpi eq, %jit3A_99, %eq3A_100 : i32
    %jit3A_102 = arith.constant 1 : i32
    %select_n3A_103 = arith.select %eq3A_101, %jit3A_102, %jit3A_99 : i32
    %rem3A_104 = arith.remsi %min3A_74, %select_n3A_103 : i32
    %ne3A_105 = arith.constant 0 : i32
    %ne3A_106 = arith.cmpi ne, %rem3A_104, %ne3A_105 : i32
    %lt3A_107 = arith.constant 0 : i32
    %lt3A_108 = arith.cmpi slt, %rem3A_104, %lt3A_107 : i32
    %lt3A_109 = arith.constant 0 : i32
    %lt3A_110 = arith.cmpi slt, %select_n3A_103, %lt3A_109 : i32
    %ne3A_111 = arith.xori %lt3A_108, %lt3A_110 : i1
    %and3A_112 = arith.andi %ne3A_111, %ne3A_106 : i1
    %add3A_113 = arith.addi %rem3A_104, %select_n3A_103 : i32
    %select_n3A_114 = arith.select %and3A_112, %add3A_113, %rem3A_104 : i32
    %mul3A_115 = arith.constant 512 : i32
    %mul3A_116 = arith.muli %select_n3A_114, %mul3A_115 : i32
    %add3A_117 = arith.addi %mul3A_2, %mul3A_116 : i32
    %mul3A_118 = arith.constant 4 : i32
    %mul3A_119 = arith.muli %select_n3A_98, %mul3A_118 : i32
    %dma_start3A_120 = tpu.memref_slice %arg3[%mul3A_119, %add3A_117] : memref<200x16384xi32, #tpu.memory_space<hbm>> -> memref<4x512xi32, #tpu.memory_space<hbm>>
    %dma_start3A_121 = tpu.memref_slice %arg3[%mul3A_119, %add3A_117] : memref<200x16384xi32, #tpu.memory_space<hbm>> -> memref<4x512xi32, #tpu.memory_space<hbm>>
    tpu.enqueue_dma source(%dma_start3A_121 : memref<4x512xi32, #tpu.memory_space<hbm>>) target(%arg7 : memref<4x512xi32, #tpu.memory_space<vmem>>) target_semaphore(%arg11 : memref<!tpu.dma_semaphore, #tpu.memory_space<semaphore_mem>>)
    %scan3A = arith.constant 0 : i32
    %scan3A_122 = arith.constant 0 : i32
    %scan3A_123 = arith.constant 25 : i32
    %scan3A_124 = arith.addi %scan3A_122, %scan3A_123 : i32
    %scan3A_125 = arith.constant 1 : i32
    scf.for %scan3A_234 = %scan3A_122 to %scan3A_124 step %scan3A_125  : i32 {
      %mul3A_235 = arith.constant 2 : i32
      %mul3A_236 = arith.muli %scan3A_234, %mul3A_235 : i32
      %add3A_237 = arith.constant 0 : i32
      %add3A_238 = arith.addi %mul3A_236, %add3A_237 : i32
      %min3A_239 = arith.constant 49 : i32
      %min3A_240 = arith.minsi %add3A_238, %min3A_239 : i32
      %jit3A_241 = arith.constant 1 : i32
      %div3A_242 = arith.divsi %min3A_240, %jit3A_241 : i32
      %sign3A_243 = arith.constant 0 : i32
      %sign3A_244 = arith.cmpi sgt, %min3A_240, %sign3A_243 : i32
      %sign3A_245 = arith.extui %sign3A_244 : i1 to i32
      %sign3A_246 = arith.constant 0 : i32
      %sign3A_247 = arith.cmpi slt, %min3A_240, %sign3A_246 : i32
      %sign3A_248 = arith.extui %sign3A_247 : i1 to i32
      %sign3A_249 = arith.subi %sign3A_245, %sign3A_248 : i32
      %sign3A_250 = arith.constant 0 : i32
      %sign3A_251 = arith.cmpi sgt, %jit3A_241, %sign3A_250 : i32
      %sign3A_252 = arith.extui %sign3A_251 : i1 to i32
      %sign3A_253 = arith.constant 0 : i32
      %sign3A_254 = arith.cmpi slt, %jit3A_241, %sign3A_253 : i32
      %sign3A_255 = arith.extui %sign3A_254 : i1 to i32
      %sign3A_256 = arith.subi %sign3A_252, %sign3A_255 : i32
      %ne3A_257 = arith.cmpi ne, %sign3A_249, %sign3A_256 : i32
      %rem3A_258 = arith.remsi %min3A_240, %jit3A_241 : i32
      %ne3A_259 = arith.constant 0 : i32
      %ne3A_260 = arith.cmpi ne, %rem3A_258, %ne3A_259 : i32
      %and3A_261 = arith.andi %ne3A_257, %ne3A_260 : i1
      %sub3A_262 = arith.constant 1 : i32
      %sub3A_263 = arith.subi %div3A_242, %sub3A_262 : i32
      %select_n3A_264 = arith.select %and3A_261, %sub3A_263, %div3A_242 : i32
      %jit3A_265 = arith.constant 1 : i32
      %eq3A_266 = arith.constant 0 : i32
      %eq3A_267 = arith.cmpi eq, %jit3A_265, %eq3A_266 : i32
      %jit3A_268 = arith.constant 1 : i32
      %select_n3A_269 = arith.select %eq3A_267, %jit3A_268, %jit3A_265 : i32
      %rem3A_270 = arith.remsi %min3A_240, %select_n3A_269 : i32
      %ne3A_271 = arith.constant 0 : i32
      %ne3A_272 = arith.cmpi ne, %rem3A_270, %ne3A_271 : i32
      %lt3A_273 = arith.constant 0 : i32
      %lt3A_274 = arith.cmpi slt, %rem3A_270, %lt3A_273 : i32
      %lt3A_275 = arith.constant 0 : i32
      %lt3A_276 = arith.cmpi slt, %select_n3A_269, %lt3A_275 : i32
      %ne3A_277 = arith.xori %lt3A_274, %lt3A_276 : i1
      %and3A_278 = arith.andi %ne3A_277, %ne3A_272 : i1
      %add3A_279 = arith.addi %rem3A_270, %select_n3A_269 : i32
      %select_n3A_280 = arith.select %and3A_278, %add3A_279, %rem3A_270 : i32
      %mul3A_281 = arith.constant 512 : i32
      %mul3A_282 = arith.muli %select_n3A_280, %mul3A_281 : i32
      %add3A_283 = arith.addi %mul3A_2, %mul3A_282 : i32
      %mul3A_284 = arith.constant 4 : i32
      %mul3A_285 = arith.muli %select_n3A_264, %mul3A_284 : i32
      %dma_wait3A_286 = tpu.memref_slice %arg3[%mul3A_285, %add3A_283] : memref<200x16384xi32, #tpu.memory_space<hbm>> -> memref<4x512xi32, #tpu.memory_space<hbm>>
      %dma_wait3A_287 = tpu.memref_slice %arg3[%mul3A_285, %add3A_283] : memref<200x16384xi32, #tpu.memory_space<hbm>> -> memref<4x512xi32, #tpu.memory_space<hbm>>
      tpu.wait_dma2 semaphore(%arg10 : memref<!tpu.dma_semaphore, #tpu.memory_space<semaphore_mem>>) src(%dma_wait3A_287 : memref<4x512xi32, #tpu.memory_space<hbm>>) dst(%arg6 : memref<4x512xi32, #tpu.memory_space<vmem>>)
      %gt3A = arith.constant 0 : i32
      %gt3A_288 = arith.cmpi sgt, %scan3A_234, %gt3A : i32
      %convert_element_type3A = arith.extui %gt3A_288 : i1 to i32
      %cond3A = arith.constant 0 : i32
      %cond3A_289 = arith.cmpi ne, %convert_element_type3A, %cond3A : i32
      scf.if %cond3A_289 {
        %dma_wait3A_470 = arith.constant 0 : i32
        %dma_wait3A_471 = tpu.memref_slice %arg4[%mul3A_285, %dma_wait3A_470, %add3A_283] : memref<200x16x16384xf32, #tpu.memory_space<hbm>> -> memref<4x16x512xf32, #tpu.memory_space<hbm>>
        %dma_wait3A_472 = arith.constant 0 : i32
        %dma_wait3A_473 = tpu.memref_slice %arg4[%mul3A_285, %dma_wait3A_472, %add3A_283] : memref<200x16x16384xf32, #tpu.memory_space<hbm>> -> memref<4x16x512xf32, #tpu.memory_space<hbm>>
        tpu.wait_dma2 semaphore(%arg12 : memref<!tpu.dma_semaphore, #tpu.memory_space<semaphore_mem>>) src(%arg8 : memref<4x16x512xf32, #tpu.memory_space<vmem>>) dst(%dma_wait3A_473 : memref<4x16x512xf32, #tpu.memory_space<hbm>>)
      } else {
      }
      %scan3A_290 = arith.constant 0 : i32
      %scan3A_291 = arith.constant 0 : i32
      %scan3A_292 = arith.constant 4 : i32
      %scan3A_293 = arith.addi %scan3A_291, %scan3A_292 : i32
      %scan3A_294 = arith.constant 1 : i32
      scf.for %scan3A_470 = %scan3A_291 to %scan3A_293 step %scan3A_294  : i32 {
        %scan3A_471 = arith.constant 0 : i32
        %scan3A_472 = arith.constant 0 : i32
        %scan3A_473 = arith.constant 32 : i32
        %scan3A_474 = arith.addi %scan3A_472, %scan3A_473 : i32
        %scan3A_475 = arith.constant 2 : i32
        scf.for %scan3A_477 = %scan3A_472 to %scan3A_474 step %scan3A_475  : i32 {
          %mul3A_478 = arith.constant 16 : i32
          %mul3A_479 = arith.muli %scan3A_477, %mul3A_478 : i32
          %get3A_480 = arith.index_cast %scan3A_470 : i32 to index
          %get3A_481 = arith.index_cast %mul3A_479 : i32 to index
          %get3A_482 = tpu.vector_load %arg6[%get3A_480, %get3A_481] {strides = array<i32>} : memref<4x512xi32, #tpu.memory_space<vmem>>, vector<16xi32>,
          %broadcast_in_dim3A = vector.shape_cast %get3A_482 : vector<16xi32> to vector<16x1xi32>
          %gather3A = vector.shape_cast %broadcast_in_dim3A : vector<16x1xi32> to vector<16xi32>
          %gather3A_483 = tpu.dynamic_gather %get3A_3[%gather3A] in [0] : vector<16xf32>, vector<16xi32> -> vector<16xf32>
          %mul3A_484 = arith.constant 16 : i32
          %mul3A_485 = arith.muli %scan3A_477, %mul3A_484 : i32
          %swap3A = arith.constant 0 : i32
          %swap3A_486 = arith.index_cast %scan3A_470 : i32 to index
          %swap3A_487 = arith.index_cast %swap3A : i32 to index
          %swap3A_488 = arith.index_cast %mul3A_485 : i32 to index
          %swap3A_489 = tpu.vector_load %arg8[%swap3A_486, %swap3A_487, %swap3A_488] {strides = array<i32>} : memref<4x16x512xf32, #tpu.memory_space<vmem>>, vector<16xf32>,
          tpu.vector_store %arg8[%swap3A_486, %swap3A_487, %swap3A_488], %gather3A_483 {strides = array<i32>} : memref<4x16x512xf32, #tpu.memory_space<vmem>>, vector<16xf32>,
          %broadcast_in_dim3A_490 = vector.shape_cast %get3A_482 : vector<16xi32> to vector<16x1xi32>
          %gather3A_491 = vector.shape_cast %broadcast_in_dim3A_490 : vector<16x1xi32> to vector<16xi32>
          %gather3A_492 = tpu.dynamic_gather %get3A_5[%gather3A_491] in [0] : vector<16xf32>, vector<16xi32> -> vector<16xf32>
          %mul3A_493 = arith.constant 16 : i32
          %mul3A_494 = arith.muli %scan3A_477, %mul3A_493 : i32
          %swap3A_495 = arith.constant 1 : i32
          %swap3A_496 = arith.index_cast %scan3A_470 : i32 to index
          %swap3A_497 = arith.index_cast %swap3A_495 : i32 to index
          %swap3A_498 = arith.index_cast %mul3A_494 : i32 to index
          %swap3A_499 = tpu.vector_load %arg8[%swap3A_496, %swap3A_497, %swap3A_498] {strides = array<i32>} : memref<4x16x512xf32, #tpu.memory_space<vmem>>, vector<16xf32>,
          tpu.vector_store %arg8[%swap3A_496, %swap3A_497, %swap3A_498], %gather3A_492 {strides = array<i32>} : memref<4x16x512xf32, #tpu.memory_space<vmem>>, vector<16xf32>,
          %broadcast_in_dim3A_500 = vector.shape_cast %get3A_482 : vector<16xi32> to vector<16x1xi32>
          %gather3A_501 = vector.shape_cast %broadcast_in_dim3A_500 : vector<16x1xi32> to vector<16xi32>
          %gather3A_502 = tpu.dynamic_gather %get3A_7[%gather3A_501] in [0] : vector<16xf32>, vector<16xi32> -> vector<16xf32>
          %mul3A_503 = arith.constant 16 : i32
          %mul3A_504 = arith.muli %scan3A_477, %mul3A_503 : i32
          %swap3A_505 = arith.constant 2 : i32
          %swap3A_506 = arith.index_cast %scan3A_470 : i32 to index
          %swap3A_507 = arith.index_cast %swap3A_505 : i32 to index
          %swap3A_508 = arith.index_cast %mul3A_504 : i32 to index
          %swap3A_509 = tpu.vector_load %arg8[%swap3A_506, %swap3A_507, %swap3A_508] {strides = array<i32>} : memref<4x16x512xf32, #tpu.memory_space<vmem>>, vector<16xf32>,
          tpu.vector_store %arg8[%swap3A_506, %swap3A_507, %swap3A_508], %gather3A_502 {strides = array<i32>} : memref<4x16x512xf32, #tpu.memory_space<vmem>>, vector<16xf32>,
          %broadcast_in_dim3A_510 = vector.shape_cast %get3A_482 : vector<16xi32> to vector<16x1xi32>
          %gather3A_511 = vector.shape_cast %broadcast_in_dim3A_510 : vector<16x1xi32> to vector<16xi32>
          %gather3A_512 = tpu.dynamic_gather %get3A_9[%gather3A_511] in [0] : vector<16xf32>, vector<16xi32> -> vector<16xf32>
          %mul3A_513 = arith.constant 16 : i32
          %mul3A_514 = arith.muli %scan3A_477, %mul3A_513 : i32
          %swap3A_515 = arith.constant 3 : i32
          %swap3A_516 = arith.index_cast %scan3A_470 : i32 to index
          %swap3A_517 = arith.index_cast %swap3A_515 : i32 to index
          %swap3A_518 = arith.index_cast %mul3A_514 : i32 to index
          %swap3A_519 = tpu.vector_load %arg8[%swap3A_516, %swap3A_517, %swap3A_518] {strides = array<i32>} : memref<4x16x512xf32, #tpu.memory_space<vmem>>, vector<16xf32>,
          tpu.vector_store %arg8[%swap3A_516, %swap3A_517, %swap3A_518], %gather3A_512 {strides = array<i32>} : memref<4x16x512xf32, #tpu.memory_space<vmem>>, vector<16xf32>,
          %broadcast_in_dim3A_520 = vector.shape_cast %get3A_482 : vector<16xi32> to vector<16x1xi32>
          %gather3A_521 = vector.shape_cast %broadcast_in_dim3A_520 : vector<16x1xi32> to vector<16xi32>
          %gather3A_522 = tpu.dynamic_gather %get3A_11[%gather3A_521] in [0] : vector<16xf32>, vector<16xi32> -> vector<16xf32>
          %mul3A_523 = arith.constant 16 : i32
          %mul3A_524 = arith.muli %scan3A_477, %mul3A_523 : i32
          %swap3A_525 = arith.constant 4 : i32
          %swap3A_526 = arith.index_cast %scan3A_470 : i32 to index
          %swap3A_527 = arith.index_cast %swap3A_525 : i32 to index
          %swap3A_528 = arith.index_cast %mul3A_524 : i32 to index
          %swap3A_529 = tpu.vector_load %arg8[%swap3A_526, %swap3A_527, %swap3A_528] {strides = array<i32>} : memref<4x16x512xf32, #tpu.memory_space<vmem>>, vector<16xf32>,
          tpu.vector_store %arg8[%swap3A_526, %swap3A_527, %swap3A_528], %gather3A_522 {strides = array<i32>} : memref<4x16x512xf32, #tpu.memory_space<vmem>>, vector<16xf32>,
          %broadcast_in_dim3A_530 = vector.shape_cast %get3A_482 : vector<16xi32> to vector<16x1xi32>
          %gather3A_531 = vector.shape_cast %broadcast_in_dim3A_530 : vector<16x1xi32> to vector<16xi32>
          %gather3A_532 = tpu.dynamic_gather %get3A_13[%gather3A_531] in [0] : vector<16xf32>, vector<16xi32> -> vector<16xf32>
          %mul3A_533 = arith.constant 16 : i32
          %mul3A_534 = arith.muli %scan3A_477, %mul3A_533 : i32
          %swap3A_535 = arith.constant 5 : i32
          %swap3A_536 = arith.index_cast %scan3A_470 : i32 to index
          %swap3A_537 = arith.index_cast %swap3A_535 : i32 to index
          %swap3A_538 = arith.index_cast %mul3A_534 : i32 to index
          %swap3A_539 = tpu.vector_load %arg8[%swap3A_536, %swap3A_537, %swap3A_538] {strides = array<i32>} : memref<4x16x512xf32, #tpu.memory_space<vmem>>, vector<16xf32>,
          tpu.vector_store %arg8[%swap3A_536, %swap3A_537, %swap3A_538], %gather3A_532 {strides = array<i32>} : memref<4x16x512xf32, #tpu.memory_space<vmem>>, vector<16xf32>,
          %broadcast_in_dim3A_540 = vector.shape_cast %get3A_482 : vector<16xi32> to vector<16x1xi32>
          %gather3A_541 = vector.shape_cast %broadcast_in_dim3A_540 : vector<16x1xi32> to vector<16xi32>
          %gather3A_542 = tpu.dynamic_gather %get3A_15[%gather3A_541] in [0] : vector<16xf32>, vector<16xi32> -> vector<16xf32>
          %mul3A_543 = arith.constant 16 : i32
          %mul3A_544 = arith.muli %scan3A_477, %mul3A_543 : i32
          %swap3A_545 = arith.constant 6 : i32
          %swap3A_546 = arith.index_cast %scan3A_470 : i32 to index
          %swap3A_547 = arith.index_cast %swap3A_545 : i32 to index
          %swap3A_548 = arith.index_cast %mul3A_544 : i32 to index
          %swap3A_549 = tpu.vector_load %arg8[%swap3A_546, %swap3A_547, %swap3A_548] {strides = array<i32>} : memref<4x16x512xf32, #tpu.memory_space<vmem>>, vector<16xf32>,
          tpu.vector_store %arg8[%swap3A_546, %swap3A_547, %swap3A_548], %gather3A_542 {strides = array<i32>} : memref<4x16x512xf32, #tpu.memory_space<vmem>>, vector<16xf32>,
          %broadcast_in_dim3A_550 = vector.shape_cast %get3A_482 : vector<16xi32> to vector<16x1xi32>
          %gather3A_551 = vector.shape_cast %broadcast_in_dim3A_550 : vector<16x1xi32> to vector<16xi32>
          %gather3A_552 = tpu.dynamic_gather %get3A_17[%gather3A_551] in [0] : vector<16xf32>, vector<16xi32> -> vector<16xf32>
          %mul3A_553 = arith.constant 16 : i32
          %mul3A_554 = arith.muli %scan3A_477, %mul3A_553 : i32
          %swap3A_555 = arith.constant 7 : i32
          %swap3A_556 = arith.index_cast %scan3A_470 : i32 to index
          %swap3A_557 = arith.index_cast %swap3A_555 : i32 to index
          %swap3A_558 = arith.index_cast %mul3A_554 : i32 to index
          %swap3A_559 = tpu.vector_load %arg8[%swap3A_556, %swap3A_557, %swap3A_558] {strides = array<i32>} : memref<4x16x512xf32, #tpu.memory_space<vmem>>, vector<16xf32>,
          tpu.vector_store %arg8[%swap3A_556, %swap3A_557, %swap3A_558], %gather3A_552 {strides = array<i32>} : memref<4x16x512xf32, #tpu.memory_space<vmem>>, vector<16xf32>,
          %broadcast_in_dim3A_560 = vector.shape_cast %get3A_482 : vector<16xi32> to vector<16x1xi32>
          %gather3A_561 = vector.shape_cast %broadcast_in_dim3A_560 : vector<16x1xi32> to vector<16xi32>
          %gather3A_562 = tpu.dynamic_gather %get3A_19[%gather3A_561] in [0] : vector<16xf32>, vector<16xi32> -> vector<16xf32>
          %mul3A_563 = arith.constant 16 : i32
          %mul3A_564 = arith.muli %scan3A_477, %mul3A_563 : i32
          %swap3A_565 = arith.constant 8 : i32
          %swap3A_566 = arith.index_cast %scan3A_470 : i32 to index
          %swap3A_567 = arith.index_cast %swap3A_565 : i32 to index
          %swap3A_568 = arith.index_cast %mul3A_564 : i32 to index
          %swap3A_569 = tpu.vector_load %arg8[%swap3A_566, %swap3A_567, %swap3A_568] {strides = array<i32>} : memref<4x16x512xf32, #tpu.memory_space<vmem>>, vector<16xf32>,
          tpu.vector_store %arg8[%swap3A_566, %swap3A_567, %swap3A_568], %gather3A_562 {strides = array<i32>} : memref<4x16x512xf32, #tpu.memory_space<vmem>>, vector<16xf32>,
          %broadcast_in_dim3A_570 = vector.shape_cast %get3A_482 : vector<16xi32> to vector<16x1xi32>
          %gather3A_571 = vector.shape_cast %broadcast_in_dim3A_570 : vector<16x1xi32> to vector<16xi32>
          %gather3A_572 = tpu.dynamic_gather %get3A_21[%gather3A_571] in [0] : vector<16xf32>, vector<16xi32> -> vector<16xf32>
          %mul3A_573 = arith.constant 16 : i32
          %mul3A_574 = arith.muli %scan3A_477, %mul3A_573 : i32
          %swap3A_575 = arith.constant 9 : i32
          %swap3A_576 = arith.index_cast %scan3A_470 : i32 to index
          %swap3A_577 = arith.index_cast %swap3A_575 : i32 to index
          %swap3A_578 = arith.index_cast %mul3A_574 : i32 to index
          %swap3A_579 = tpu.vector_load %arg8[%swap3A_576, %swap3A_577, %swap3A_578] {strides = array<i32>} : memref<4x16x512xf32, #tpu.memory_space<vmem>>, vector<16xf32>,
          tpu.vector_store %arg8[%swap3A_576, %swap3A_577, %swap3A_578], %gather3A_572 {strides = array<i32>} : memref<4x16x512xf32, #tpu.memory_space<vmem>>, vector<16xf32>,
          %broadcast_in_dim3A_580 = vector.shape_cast %get3A_482 : vector<16xi32> to vector<16x1xi32>
          %gather3A_581 = vector.shape_cast %broadcast_in_dim3A_580 : vector<16x1xi32> to vector<16xi32>
          %gather3A_582 = tpu.dynamic_gather %get3A_23[%gather3A_581] in [0] : vector<16xf32>, vector<16xi32> -> vector<16xf32>
          %mul3A_583 = arith.constant 16 : i32
          %mul3A_584 = arith.muli %scan3A_477, %mul3A_583 : i32
          %swap3A_585 = arith.constant 10 : i32
          %swap3A_586 = arith.index_cast %scan3A_470 : i32 to index
          %swap3A_587 = arith.index_cast %swap3A_585 : i32 to index
          %swap3A_588 = arith.index_cast %mul3A_584 : i32 to index
          %swap3A_589 = tpu.vector_load %arg8[%swap3A_586, %swap3A_587, %swap3A_588] {strides = array<i32>} : memref<4x16x512xf32, #tpu.memory_space<vmem>>, vector<16xf32>,
          tpu.vector_store %arg8[%swap3A_586, %swap3A_587, %swap3A_588], %gather3A_582 {strides = array<i32>} : memref<4x16x512xf32, #tpu.memory_space<vmem>>, vector<16xf32>,
          %broadcast_in_dim3A_590 = vector.shape_cast %get3A_482 : vector<16xi32> to vector<16x1xi32>
          %gather3A_591 = vector.shape_cast %broadcast_in_dim3A_590 : vector<16x1xi32> to vector<16xi32>
          %gather3A_592 = tpu.dynamic_gather %get3A_25[%gather3A_591] in [0] : vector<16xf32>, vector<16xi32> -> vector<16xf32>
          %mul3A_593 = arith.constant 16 : i32
          %mul3A_594 = arith.muli %scan3A_477, %mul3A_593 : i32
          %swap3A_595 = arith.constant 11 : i32
          %swap3A_596 = arith.index_cast %scan3A_470 : i32 to index
          %swap3A_597 = arith.index_cast %swap3A_595 : i32 to index
          %swap3A_598 = arith.index_cast %mul3A_594 : i32 to index
          %swap3A_599 = tpu.vector_load %arg8[%swap3A_596, %swap3A_597, %swap3A_598] {strides = array<i32>} : memref<4x16x512xf32, #tpu.memory_space<vmem>>, vector<16xf32>,
          tpu.vector_store %arg8[%swap3A_596, %swap3A_597, %swap3A_598], %gather3A_592 {strides = array<i32>} : memref<4x16x512xf32, #tpu.memory_space<vmem>>, vector<16xf32>,
          %broadcast_in_dim3A_600 = vector.shape_cast %get3A_482 : vector<16xi32> to vector<16x1xi32>
          %gather3A_601 = vector.shape_cast %broadcast_in_dim3A_600 : vector<16x1xi32> to vector<16xi32>
          %gather3A_602 = tpu.dynamic_gather %get3A_27[%gather3A_601] in [0] : vector<16xf32>, vector<16xi32> -> vector<16xf32>
          %mul3A_603 = arith.constant 16 : i32
          %mul3A_604 = arith.muli %scan3A_477, %mul3A_603 : i32
          %swap3A_605 = arith.constant 12 : i32
          %swap3A_606 = arith.index_cast %scan3A_470 : i32 to index
          %swap3A_607 = arith.index_cast %swap3A_605 : i32 to index
          %swap3A_608 = arith.index_cast %mul3A_604 : i32 to index
          %swap3A_609 = tpu.vector_load %arg8[%swap3A_606, %swap3A_607, %swap3A_608] {strides = array<i32>} : memref<4x16x512xf32, #tpu.memory_space<vmem>>, vector<16xf32>,
          tpu.vector_store %arg8[%swap3A_606, %swap3A_607, %swap3A_608], %gather3A_602 {strides = array<i32>} : memref<4x16x512xf32, #tpu.memory_space<vmem>>, vector<16xf32>,
          %broadcast_in_dim3A_610 = vector.shape_cast %get3A_482 : vector<16xi32> to vector<16x1xi32>
          %gather3A_611 = vector.shape_cast %broadcast_in_dim3A_610 : vector<16x1xi32> to vector<16xi32>
          %gather3A_612 = tpu.dynamic_gather %get3A_29[%gather3A_611] in [0] : vector<16xf32>, vector<16xi32> -> vector<16xf32>
          %mul3A_613 = arith.constant 16 : i32
          %mul3A_614 = arith.muli %scan3A_477, %mul3A_613 : i32
          %swap3A_615 = arith.constant 13 : i32
          %swap3A_616 = arith.index_cast %scan3A_470 : i32 to index
          %swap3A_617 = arith.index_cast %swap3A_615 : i32 to index
          %swap3A_618 = arith.index_cast %mul3A_614 : i32 to index
          %swap3A_619 = tpu.vector_load %arg8[%swap3A_616, %swap3A_617, %swap3A_618] {strides = array<i32>} : memref<4x16x512xf32, #tpu.memory_space<vmem>>, vector<16xf32>,
          tpu.vector_store %arg8[%swap3A_616, %swap3A_617, %swap3A_618], %gather3A_612 {strides = array<i32>} : memref<4x16x512xf32, #tpu.memory_space<vmem>>, vector<16xf32>,
          %broadcast_in_dim3A_620 = vector.shape_cast %get3A_482 : vector<16xi32> to vector<16x1xi32>
          %gather3A_621 = vector.shape_cast %broadcast_in_dim3A_620 : vector<16x1xi32> to vector<16xi32>
          %gather3A_622 = tpu.dynamic_gather %get3A_31[%gather3A_621] in [0] : vector<16xf32>, vector<16xi32> -> vector<16xf32>
          %mul3A_623 = arith.constant 16 : i32
          %mul3A_624 = arith.muli %scan3A_477, %mul3A_623 : i32
          %swap3A_625 = arith.constant 14 : i32
          %swap3A_626 = arith.index_cast %scan3A_470 : i32 to index
          %swap3A_627 = arith.index_cast %swap3A_625 : i32 to index
          %swap3A_628 = arith.index_cast %mul3A_624 : i32 to index
          %swap3A_629 = tpu.vector_load %arg8[%swap3A_626, %swap3A_627, %swap3A_628] {strides = array<i32>} : memref<4x16x512xf32, #tpu.memory_space<vmem>>, vector<16xf32>,
          tpu.vector_store %arg8[%swap3A_626, %swap3A_627, %swap3A_628], %gather3A_622 {strides = array<i32>} : memref<4x16x512xf32, #tpu.memory_space<vmem>>, vector<16xf32>,
          %broadcast_in_dim3A_630 = vector.shape_cast %get3A_482 : vector<16xi32> to vector<16x1xi32>
          %gather3A_631 = vector.shape_cast %broadcast_in_dim3A_630 : vector<16x1xi32> to vector<16xi32>
          %gather3A_632 = tpu.dynamic_gather %get3A_33[%gather3A_631] in [0] : vector<16xf32>, vector<16xi32> -> vector<16xf32>
          %mul3A_633 = arith.constant 16 : i32
          %mul3A_634 = arith.muli %scan3A_477, %mul3A_633 : i32
          %swap3A_635 = arith.constant 15 : i32
          %swap3A_636 = arith.index_cast %scan3A_470 : i32 to index
          %swap3A_637 = arith.index_cast %swap3A_635 : i32 to index
          %swap3A_638 = arith.index_cast %mul3A_634 : i32 to index
          %swap3A_639 = tpu.vector_load %arg8[%swap3A_636, %swap3A_637, %swap3A_638] {strides = array<i32>} : memref<4x16x512xf32, #tpu.memory_space<vmem>>, vector<16xf32>,
          tpu.vector_store %arg8[%swap3A_636, %swap3A_637, %swap3A_638], %gather3A_632 {strides = array<i32>} : memref<4x16x512xf32, #tpu.memory_space<vmem>>, vector<16xf32>,
          %scan3A_640 = arith.constant 1 : i32
          %scan3A_641 = arith.addi %scan3A_477, %scan3A_640 : i32
          %mul3A_642 = arith.constant 16 : i32
          %mul3A_643 = arith.muli %scan3A_641, %mul3A_642 : i32
          %get3A_644 = arith.index_cast %scan3A_470 : i32 to index
          %get3A_645 = arith.index_cast %mul3A_643 : i32 to index
          %get3A_646 = tpu.vector_load %arg6[%get3A_644, %get3A_645] {strides = array<i32>} : memref<4x512xi32, #tpu.memory_space<vmem>>, vector<16xi32>,
          %broadcast_in_dim3A_647 = vector.shape_cast %get3A_646 : vector<16xi32> to vector<16x1xi32>
          %gather3A_648 = vector.shape_cast %broadcast_in_dim3A_647 : vector<16x1xi32> to vector<16xi32>
          %gather3A_649 = tpu.dynamic_gather %get3A_3[%gather3A_648] in [0] : vector<16xf32>, vector<16xi32> -> vector<16xf32>
          %mul3A_650 = arith.constant 16 : i32
          %mul3A_651 = arith.muli %scan3A_641, %mul3A_650 : i32
          %swap3A_652 = arith.constant 0 : i32
          %swap3A_653 = arith.index_cast %scan3A_470 : i32 to index
          %swap3A_654 = arith.index_cast %swap3A_652 : i32 to index
          %swap3A_655 = arith.index_cast %mul3A_651 : i32 to index
          %swap3A_656 = tpu.vector_load %arg8[%swap3A_653, %swap3A_654, %swap3A_655] {strides = array<i32>} : memref<4x16x512xf32, #tpu.memory_space<vmem>>, vector<16xf32>,
          tpu.vector_store %arg8[%swap3A_653, %swap3A_654, %swap3A_655], %gather3A_649 {strides = array<i32>} : memref<4x16x512xf32, #tpu.memory_space<vmem>>, vector<16xf32>,
          %broadcast_in_dim3A_657 = vector.shape_cast %get3A_646 : vector<16xi32> to vector<16x1xi32>
          %gather3A_658 = vector.shape_cast %broadcast_in_dim3A_657 : vector<16x1xi32> to vector<16xi32>
          %gather3A_659 = tpu.dynamic_gather %get3A_5[%gather3A_658] in [0] : vector<16xf32>, vector<16xi32> -> vector<16xf32>
          %mul3A_660 = arith.constant 16 : i32
          %mul3A_661 = arith.muli %scan3A_641, %mul3A_660 : i32
          %swap3A_662 = arith.constant 1 : i32
          %swap3A_663 = arith.index_cast %scan3A_470 : i32 to index
          %swap3A_664 = arith.index_cast %swap3A_662 : i32 to index
          %swap3A_665 = arith.index_cast %mul3A_661 : i32 to index
          %swap3A_666 = tpu.vector_load %arg8[%swap3A_663, %swap3A_664, %swap3A_665] {strides = array<i32>} : memref<4x16x512xf32, #tpu.memory_space<vmem>>, vector<16xf32>,
          tpu.vector_store %arg8[%swap3A_663, %swap3A_664, %swap3A_665], %gather3A_659 {strides = array<i32>} : memref<4x16x512xf32, #tpu.memory_space<vmem>>, vector<16xf32>,
          %broadcast_in_dim3A_667 = vector.shape_cast %get3A_646 : vector<16xi32> to vector<16x1xi32>
          %gather3A_668 = vector.shape_cast %broadcast_in_dim3A_667 : vector<16x1xi32> to vector<16xi32>
          %gather3A_669 = tpu.dynamic_gather %get3A_7[%gather3A_668] in [0] : vector<16xf32>, vector<16xi32> -> vector<16xf32>
          %mul3A_670 = arith.constant 16 : i32
          %mul3A_671 = arith.muli %scan3A_641, %mul3A_670 : i32
          %swap3A_672 = arith.constant 2 : i32
          %swap3A_673 = arith.index_cast %scan3A_470 : i32 to index
          %swap3A_674 = arith.index_cast %swap3A_672 : i32 to index
          %swap3A_675 = arith.index_cast %mul3A_671 : i32 to index
          %swap3A_676 = tpu.vector_load %arg8[%swap3A_673, %swap3A_674, %swap3A_675] {strides = array<i32>} : memref<4x16x512xf32, #tpu.memory_space<vmem>>, vector<16xf32>,
          tpu.vector_store %arg8[%swap3A_673, %swap3A_674, %swap3A_675], %gather3A_669 {strides = array<i32>} : memref<4x16x512xf32, #tpu.memory_space<vmem>>, vector<16xf32>,
          %broadcast_in_dim3A_677 = vector.shape_cast %get3A_646 : vector<16xi32> to vector<16x1xi32>
          %gather3A_678 = vector.shape_cast %broadcast_in_dim3A_677 : vector<16x1xi32> to vector<16xi32>
          %gather3A_679 = tpu.dynamic_gather %get3A_9[%gather3A_678] in [0] : vector<16xf32>, vector<16xi32> -> vector<16xf32>
          %mul3A_680 = arith.constant 16 : i32
          %mul3A_681 = arith.muli %scan3A_641, %mul3A_680 : i32
          %swap3A_682 = arith.constant 3 : i32
          %swap3A_683 = arith.index_cast %scan3A_470 : i32 to index
          %swap3A_684 = arith.index_cast %swap3A_682 : i32 to index
          %swap3A_685 = arith.index_cast %mul3A_681 : i32 to index
          %swap3A_686 = tpu.vector_load %arg8[%swap3A_683, %swap3A_684, %swap3A_685] {strides = array<i32>} : memref<4x16x512xf32, #tpu.memory_space<vmem>>, vector<16xf32>,
          tpu.vector_store %arg8[%swap3A_683, %swap3A_684, %swap3A_685], %gather3A_679 {strides = array<i32>} : memref<4x16x512xf32, #tpu.memory_space<vmem>>, vector<16xf32>,
          %broadcast_in_dim3A_687 = vector.shape_cast %get3A_646 : vector<16xi32> to vector<16x1xi32>
          %gather3A_688 = vector.shape_cast %broadcast_in_dim3A_687 : vector<16x1xi32> to vector<16xi32>
          %gather3A_689 = tpu.dynamic_gather %get3A_11[%gather3A_688] in [0] : vector<16xf32>, vector<16xi32> -> vector<16xf32>
          %mul3A_690 = arith.constant 16 : i32
          %mul3A_691 = arith.muli %scan3A_641, %mul3A_690 : i32
          %swap3A_692 = arith.constant 4 : i32
          %swap3A_693 = arith.index_cast %scan3A_470 : i32 to index
          %swap3A_694 = arith.index_cast %swap3A_692 : i32 to index
          %swap3A_695 = arith.index_cast %mul3A_691 : i32 to index
          %swap3A_696 = tpu.vector_load %arg8[%swap3A_693, %swap3A_694, %swap3A_695] {strides = array<i32>} : memref<4x16x512xf32, #tpu.memory_space<vmem>>, vector<16xf32>,
          tpu.vector_store %arg8[%swap3A_693, %swap3A_694, %swap3A_695], %gather3A_689 {strides = array<i32>} : memref<4x16x512xf32, #tpu.memory_space<vmem>>, vector<16xf32>,
          %broadcast_in_dim3A_697 = vector.shape_cast %get3A_646 : vector<16xi32> to vector<16x1xi32>
          %gather3A_698 = vector.shape_cast %broadcast_in_dim3A_697 : vector<16x1xi32> to vector<16xi32>
          %gather3A_699 = tpu.dynamic_gather %get3A_13[%gather3A_698] in [0] : vector<16xf32>, vector<16xi32> -> vector<16xf32>
          %mul3A_700 = arith.constant 16 : i32
          %mul3A_701 = arith.muli %scan3A_641, %mul3A_700 : i32
          %swap3A_702 = arith.constant 5 : i32
          %swap3A_703 = arith.index_cast %scan3A_470 : i32 to index
          %swap3A_704 = arith.index_cast %swap3A_702 : i32 to index
          %swap3A_705 = arith.index_cast %mul3A_701 : i32 to index
          %swap3A_706 = tpu.vector_load %arg8[%swap3A_703, %swap3A_704, %swap3A_705] {strides = array<i32>} : memref<4x16x512xf32, #tpu.memory_space<vmem>>, vector<16xf32>,
          tpu.vector_store %arg8[%swap3A_703, %swap3A_704, %swap3A_705], %gather3A_699 {strides = array<i32>} : memref<4x16x512xf32, #tpu.memory_space<vmem>>, vector<16xf32>,
          %broadcast_in_dim3A_707 = vector.shape_cast %get3A_646 : vector<16xi32> to vector<16x1xi32>
          %gather3A_708 = vector.shape_cast %broadcast_in_dim3A_707 : vector<16x1xi32> to vector<16xi32>
          %gather3A_709 = tpu.dynamic_gather %get3A_15[%gather3A_708] in [0] : vector<16xf32>, vector<16xi32> -> vector<16xf32>
          %mul3A_710 = arith.constant 16 : i32
          %mul3A_711 = arith.muli %scan3A_641, %mul3A_710 : i32
          %swap3A_712 = arith.constant 6 : i32
          %swap3A_713 = arith.index_cast %scan3A_470 : i32 to index
          %swap3A_714 = arith.index_cast %swap3A_712 : i32 to index
          %swap3A_715 = arith.index_cast %mul3A_711 : i32 to index
          %swap3A_716 = tpu.vector_load %arg8[%swap3A_713, %swap3A_714, %swap3A_715] {strides = array<i32>} : memref<4x16x512xf32, #tpu.memory_space<vmem>>, vector<16xf32>,
          tpu.vector_store %arg8[%swap3A_713, %swap3A_714, %swap3A_715], %gather3A_709 {strides = array<i32>} : memref<4x16x512xf32, #tpu.memory_space<vmem>>, vector<16xf32>,
          %broadcast_in_dim3A_717 = vector.shape_cast %get3A_646 : vector<16xi32> to vector<16x1xi32>
          %gather3A_718 = vector.shape_cast %broadcast_in_dim3A_717 : vector<16x1xi32> to vector<16xi32>
          %gather3A_719 = tpu.dynamic_gather %get3A_17[%gather3A_718] in [0] : vector<16xf32>, vector<16xi32> -> vector<16xf32>
          %mul3A_720 = arith.constant 16 : i32
          %mul3A_721 = arith.muli %scan3A_641, %mul3A_720 : i32
          %swap3A_722 = arith.constant 7 : i32
          %swap3A_723 = arith.index_cast %scan3A_470 : i32 to index
          %swap3A_724 = arith.index_cast %swap3A_722 : i32 to index
          %swap3A_725 = arith.index_cast %mul3A_721 : i32 to index
          %swap3A_726 = tpu.vector_load %arg8[%swap3A_723, %swap3A_724, %swap3A_725] {strides = array<i32>} : memref<4x16x512xf32, #tpu.memory_space<vmem>>, vector<16xf32>,
          tpu.vector_store %arg8[%swap3A_723, %swap3A_724, %swap3A_725], %gather3A_719 {strides = array<i32>} : memref<4x16x512xf32, #tpu.memory_space<vmem>>, vector<16xf32>,
          %broadcast_in_dim3A_727 = vector.shape_cast %get3A_646 : vector<16xi32> to vector<16x1xi32>
          %gather3A_728 = vector.shape_cast %broadcast_in_dim3A_727 : vector<16x1xi32> to vector<16xi32>
          %gather3A_729 = tpu.dynamic_gather %get3A_19[%gather3A_728] in [0] : vector<16xf32>, vector<16xi32> -> vector<16xf32>
          %mul3A_730 = arith.constant 16 : i32
          %mul3A_731 = arith.muli %scan3A_641, %mul3A_730 : i32
          %swap3A_732 = arith.constant 8 : i32
          %swap3A_733 = arith.index_cast %scan3A_470 : i32 to index
          %swap3A_734 = arith.index_cast %swap3A_732 : i32 to index
          %swap3A_735 = arith.index_cast %mul3A_731 : i32 to index
          %swap3A_736 = tpu.vector_load %arg8[%swap3A_733, %swap3A_734, %swap3A_735] {strides = array<i32>} : memref<4x16x512xf32, #tpu.memory_space<vmem>>, vector<16xf32>,
          tpu.vector_store %arg8[%swap3A_733, %swap3A_734, %swap3A_735], %gather3A_729 {strides = array<i32>} : memref<4x16x512xf32, #tpu.memory_space<vmem>>, vector<16xf32>,
          %broadcast_in_dim3A_737 = vector.shape_cast %get3A_646 : vector<16xi32> to vector<16x1xi32>
          %gather3A_738 = vector.shape_cast %broadcast_in_dim3A_737 : vector<16x1xi32> to vector<16xi32>
          %gather3A_739 = tpu.dynamic_gather %get3A_21[%gather3A_738] in [0] : vector<16xf32>, vector<16xi32> -> vector<16xf32>
          %mul3A_740 = arith.constant 16 : i32
          %mul3A_741 = arith.muli %scan3A_641, %mul3A_740 : i32
          %swap3A_742 = arith.constant 9 : i32
          %swap3A_743 = arith.index_cast %scan3A_470 : i32 to index
          %swap3A_744 = arith.index_cast %swap3A_742 : i32 to index
          %swap3A_745 = arith.index_cast %mul3A_741 : i32 to index
          %swap3A_746 = tpu.vector_load %arg8[%swap3A_743, %swap3A_744, %swap3A_745] {strides = array<i32>} : memref<4x16x512xf32, #tpu.memory_space<vmem>>, vector<16xf32>,
          tpu.vector_store %arg8[%swap3A_743, %swap3A_744, %swap3A_745], %gather3A_739 {strides = array<i32>} : memref<4x16x512xf32, #tpu.memory_space<vmem>>, vector<16xf32>,
          %broadcast_in_dim3A_747 = vector.shape_cast %get3A_646 : vector<16xi32> to vector<16x1xi32>
          %gather3A_748 = vector.shape_cast %broadcast_in_dim3A_747 : vector<16x1xi32> to vector<16xi32>
          %gather3A_749 = tpu.dynamic_gather %get3A_23[%gather3A_748] in [0] : vector<16xf32>, vector<16xi32> -> vector<16xf32>
          %mul3A_750 = arith.constant 16 : i32
          %mul3A_751 = arith.muli %scan3A_641, %mul3A_750 : i32
          %swap3A_752 = arith.constant 10 : i32
          %swap3A_753 = arith.index_cast %scan3A_470 : i32 to index
          %swap3A_754 = arith.index_cast %swap3A_752 : i32 to index
          %swap3A_755 = arith.index_cast %mul3A_751 : i32 to index
          %swap3A_756 = tpu.vector_load %arg8[%swap3A_753, %swap3A_754, %swap3A_755] {strides = array<i32>} : memref<4x16x512xf32, #tpu.memory_space<vmem>>, vector<16xf32>,
          tpu.vector_store %arg8[%swap3A_753, %swap3A_754, %swap3A_755], %gather3A_749 {strides = array<i32>} : memref<4x16x512xf32, #tpu.memory_space<vmem>>, vector<16xf32>,
          %broadcast_in_dim3A_757 = vector.shape_cast %get3A_646 : vector<16xi32> to vector<16x1xi32>
          %gather3A_758 = vector.shape_cast %broadcast_in_dim3A_757 : vector<16x1xi32> to vector<16xi32>
          %gather3A_759 = tpu.dynamic_gather %get3A_25[%gather3A_758] in [0] : vector<16xf32>, vector<16xi32> -> vector<16xf32>
          %mul3A_760 = arith.constant 16 : i32
          %mul3A_761 = arith.muli %scan3A_641, %mul3A_760 : i32
          %swap3A_762 = arith.constant 11 : i32
          %swap3A_763 = arith.index_cast %scan3A_470 : i32 to index
          %swap3A_764 = arith.index_cast %swap3A_762 : i32 to index
          %swap3A_765 = arith.index_cast %mul3A_761 : i32 to index
          %swap3A_766 = tpu.vector_load %arg8[%swap3A_763, %swap3A_764, %swap3A_765] {strides = array<i32>} : memref<4x16x512xf32, #tpu.memory_space<vmem>>, vector<16xf32>,
          tpu.vector_store %arg8[%swap3A_763, %swap3A_764, %swap3A_765], %gather3A_759 {strides = array<i32>} : memref<4x16x512xf32, #tpu.memory_space<vmem>>, vector<16xf32>,
          %broadcast_in_dim3A_767 = vector.shape_cast %get3A_646 : vector<16xi32> to vector<16x1xi32>
          %gather3A_768 = vector.shape_cast %broadcast_in_dim3A_767 : vector<16x1xi32> to vector<16xi32>
          %gather3A_769 = tpu.dynamic_gather %get3A_27[%gather3A_768] in [0] : vector<16xf32>, vector<16xi32> -> vector<16xf32>
          %mul3A_770 = arith.constant 16 : i32
          %mul3A_771 = arith.muli %scan3A_641, %mul3A_770 : i32
          %swap3A_772 = arith.constant 12 : i32
          %swap3A_773 = arith.index_cast %scan3A_470 : i32 to index
          %swap3A_774 = arith.index_cast %swap3A_772 : i32 to index
          %swap3A_775 = arith.index_cast %mul3A_771 : i32 to index
          %swap3A_776 = tpu.vector_load %arg8[%swap3A_773, %swap3A_774, %swap3A_775] {strides = array<i32>} : memref<4x16x512xf32, #tpu.memory_space<vmem>>, vector<16xf32>,
          tpu.vector_store %arg8[%swap3A_773, %swap3A_774, %swap3A_775], %gather3A_769 {strides = array<i32>} : memref<4x16x512xf32, #tpu.memory_space<vmem>>, vector<16xf32>,
          %broadcast_in_dim3A_777 = vector.shape_cast %get3A_646 : vector<16xi32> to vector<16x1xi32>
          %gather3A_778 = vector.shape_cast %broadcast_in_dim3A_777 : vector<16x1xi32> to vector<16xi32>
          %gather3A_779 = tpu.dynamic_gather %get3A_29[%gather3A_778] in [0] : vector<16xf32>, vector<16xi32> -> vector<16xf32>
          %mul3A_780 = arith.constant 16 : i32
          %mul3A_781 = arith.muli %scan3A_641, %mul3A_780 : i32
          %swap3A_782 = arith.constant 13 : i32
          %swap3A_783 = arith.index_cast %scan3A_470 : i32 to index
          %swap3A_784 = arith.index_cast %swap3A_782 : i32 to index
          %swap3A_785 = arith.index_cast %mul3A_781 : i32 to index
          %swap3A_786 = tpu.vector_load %arg8[%swap3A_783, %swap3A_784, %swap3A_785] {strides = array<i32>} : memref<4x16x512xf32, #tpu.memory_space<vmem>>, vector<16xf32>,
          tpu.vector_store %arg8[%swap3A_783, %swap3A_784, %swap3A_785], %gather3A_779 {strides = array<i32>} : memref<4x16x512xf32, #tpu.memory_space<vmem>>, vector<16xf32>,
          %broadcast_in_dim3A_787 = vector.shape_cast %get3A_646 : vector<16xi32> to vector<16x1xi32>
          %gather3A_788 = vector.shape_cast %broadcast_in_dim3A_787 : vector<16x1xi32> to vector<16xi32>
          %gather3A_789 = tpu.dynamic_gather %get3A_31[%gather3A_788] in [0] : vector<16xf32>, vector<16xi32> -> vector<16xf32>
          %mul3A_790 = arith.constant 16 : i32
          %mul3A_791 = arith.muli %scan3A_641, %mul3A_790 : i32
          %swap3A_792 = arith.constant 14 : i32
          %swap3A_793 = arith.index_cast %scan3A_470 : i32 to index
          %swap3A_794 = arith.index_cast %swap3A_792 : i32 to index
          %swap3A_795 = arith.index_cast %mul3A_791 : i32 to index
          %swap3A_796 = tpu.vector_load %arg8[%swap3A_793, %swap3A_794, %swap3A_795] {strides = array<i32>} : memref<4x16x512xf32, #tpu.memory_space<vmem>>, vector<16xf32>,
          tpu.vector_store %arg8[%swap3A_793, %swap3A_794, %swap3A_795], %gather3A_789 {strides = array<i32>} : memref<4x16x512xf32, #tpu.memory_space<vmem>>, vector<16xf32>,
          %broadcast_in_dim3A_797 = vector.shape_cast %get3A_646 : vector<16xi32> to vector<16x1xi32>
          %gather3A_798 = vector.shape_cast %broadcast_in_dim3A_797 : vector<16x1xi32> to vector<16xi32>
          %gather3A_799 = tpu.dynamic_gather %get3A_33[%gather3A_798] in [0] : vector<16xf32>, vector<16xi32> -> vector<16xf32>
          %mul3A_800 = arith.constant 16 : i32
          %mul3A_801 = arith.muli %scan3A_641, %mul3A_800 : i32
          %swap3A_802 = arith.constant 15 : i32
          %swap3A_803 = arith.index_cast %scan3A_470 : i32 to index
          %swap3A_804 = arith.index_cast %swap3A_802 : i32 to index
          %swap3A_805 = arith.index_cast %mul3A_801 : i32 to index
          %swap3A_806 = tpu.vector_load %arg8[%swap3A_803, %swap3A_804, %swap3A_805] {strides = array<i32>} : memref<4x16x512xf32, #tpu.memory_space<vmem>>, vector<16xf32>,
          tpu.vector_store %arg8[%swap3A_803, %swap3A_804, %swap3A_805], %gather3A_799 {strides = array<i32>} : memref<4x16x512xf32, #tpu.memory_space<vmem>>, vector<16xf32>,
        }
        %scan3A_476 = arith.constant 32 : i32
      }
      %scan3A_295 = arith.constant 4 : i32
      %dma_start3A_296 = arith.constant 0 : i32
      %dma_start3A_297 = tpu.memref_slice %arg4[%mul3A_285, %dma_start3A_296, %add3A_283] : memref<200x16x16384xf32, #tpu.memory_space<hbm>> -> memref<4x16x512xf32, #tpu.memory_space<hbm>>
      %dma_start3A_298 = arith.constant 0 : i32
      %dma_start3A_299 = tpu.memref_slice %arg4[%mul3A_285, %dma_start3A_298, %add3A_283] : memref<200x16x16384xf32, #tpu.memory_space<hbm>> -> memref<4x16x512xf32, #tpu.memory_space<hbm>>
      tpu.enqueue_dma source(%arg8 : memref<4x16x512xf32, #tpu.memory_space<vmem>>) target(%dma_start3A_299 : memref<4x16x512xf32, #tpu.memory_space<hbm>>) target_semaphore(%arg12 : memref<!tpu.dma_semaphore, #tpu.memory_space<semaphore_mem>>)
      %add3A_300 = arith.constant 2 : i32
      %add3A_301 = arith.addi %add3A_238, %add3A_300 : i32
      %min3A_302 = arith.constant 49 : i32
      %min3A_303 = arith.minsi %add3A_301, %min3A_302 : i32
      %jit3A_304 = arith.constant 1 : i32
      %div3A_305 = arith.divsi %min3A_303, %jit3A_304 : i32
      %sign3A_306 = arith.constant 0 : i32
      %sign3A_307 = arith.cmpi sgt, %min3A_303, %sign3A_306 : i32
      %sign3A_308 = arith.extui %sign3A_307 : i1 to i32
      %sign3A_309 = arith.constant 0 : i32
      %sign3A_310 = arith.cmpi slt, %min3A_303, %sign3A_309 : i32
      %sign3A_311 = arith.extui %sign3A_310 : i1 to i32
      %sign3A_312 = arith.subi %sign3A_308, %sign3A_311 : i32
      %sign3A_313 = arith.constant 0 : i32
      %sign3A_314 = arith.cmpi sgt, %jit3A_304, %sign3A_313 : i32
      %sign3A_315 = arith.extui %sign3A_314 : i1 to i32
      %sign3A_316 = arith.constant 0 : i32
      %sign3A_317 = arith.cmpi slt, %jit3A_304, %sign3A_316 : i32
      %sign3A_318 = arith.extui %sign3A_317 : i1 to i32
      %sign3A_319 = arith.subi %sign3A_315, %sign3A_318 : i32
      %ne3A_320 = arith.cmpi ne, %sign3A_312, %sign3A_319 : i32
      %rem3A_321 = arith.remsi %min3A_303, %jit3A_304 : i32
      %ne3A_322 = arith.constant 0 : i32
      %ne3A_323 = arith.cmpi ne, %rem3A_321, %ne3A_322 : i32
      %and3A_324 = arith.andi %ne3A_320, %ne3A_323 : i1
      %sub3A_325 = arith.constant 1 : i32
      %sub3A_326 = arith.subi %div3A_305, %sub3A_325 : i32
      %select_n3A_327 = arith.select %and3A_324, %sub3A_326, %div3A_305 : i32
      %jit3A_328 = arith.constant 1 : i32
      %eq3A_329 = arith.constant 0 : i32
      %eq3A_330 = arith.cmpi eq, %jit3A_328, %eq3A_329 : i32
      %jit3A_331 = arith.constant 1 : i32
      %select_n3A_332 = arith.select %eq3A_330, %jit3A_331, %jit3A_328 : i32
      %rem3A_333 = arith.remsi %min3A_303, %select_n3A_332 : i32
      %ne3A_334 = arith.constant 0 : i32
      %ne3A_335 = arith.cmpi ne, %rem3A_333, %ne3A_334 : i32
      %lt3A_336 = arith.constant 0 : i32
      %lt3A_337 = arith.cmpi slt, %rem3A_333, %lt3A_336 : i32
      %lt3A_338 = arith.constant 0 : i32
      %lt3A_339 = arith.cmpi slt, %select_n3A_332, %lt3A_338 : i32
      %ne3A_340 = arith.xori %lt3A_337, %lt3A_339 : i1
      %and3A_341 = arith.andi %ne3A_340, %ne3A_335 : i1
      %add3A_342 = arith.addi %rem3A_333, %select_n3A_332 : i32
      %select_n3A_343 = arith.select %and3A_341, %add3A_342, %rem3A_333 : i32
      %mul3A_344 = arith.constant 512 : i32
      %mul3A_345 = arith.muli %select_n3A_343, %mul3A_344 : i32
      %add3A_346 = arith.addi %mul3A_2, %mul3A_345 : i32
      %mul3A_347 = arith.constant 4 : i32
      %mul3A_348 = arith.muli %select_n3A_327, %mul3A_347 : i32
      %dma_start3A_349 = tpu.memref_slice %arg3[%mul3A_348, %add3A_346] : memref<200x16384xi32, #tpu.memory_space<hbm>> -> memref<4x512xi32, #tpu.memory_space<hbm>>
      %dma_start3A_350 = tpu.memref_slice %arg3[%mul3A_348, %add3A_346] : memref<200x16384xi32, #tpu.memory_space<hbm>> -> memref<4x512xi32, #tpu.memory_space<hbm>>
      tpu.enqueue_dma source(%dma_start3A_350 : memref<4x512xi32, #tpu.memory_space<hbm>>) target(%arg6 : memref<4x512xi32, #tpu.memory_space<vmem>>) target_semaphore(%arg10 : memref<!tpu.dma_semaphore, #tpu.memory_space<semaphore_mem>>)
      %mul3A_351 = arith.constant 2 : i32
      %mul3A_352 = arith.muli %scan3A_234, %mul3A_351 : i32
      %add3A_353 = arith.constant 1 : i32
      %add3A_354 = arith.addi %mul3A_352, %add3A_353 : i32
      %min3A_355 = arith.constant 49 : i32
      %min3A_356 = arith.minsi %add3A_354, %min3A_355 : i32
      %jit3A_357 = arith.constant 1 : i32
      %div3A_358 = arith.divsi %min3A_356, %jit3A_357 : i32
      %sign3A_359 = arith.constant 0 : i32
      %sign3A_360 = arith.cmpi sgt, %min3A_356, %sign3A_359 : i32
      %sign3A_361 = arith.extui %sign3A_360 : i1 to i32
      %sign3A_362 = arith.constant 0 : i32
      %sign3A_363 = arith.cmpi slt, %min3A_356, %sign3A_362 : i32
      %sign3A_364 = arith.extui %sign3A_363 : i1 to i32
      %sign3A_365 = arith.subi %sign3A_361, %sign3A_364 : i32
      %sign3A_366 = arith.constant 0 : i32
      %sign3A_367 = arith.cmpi sgt, %jit3A_357, %sign3A_366 : i32
      %sign3A_368 = arith.extui %sign3A_367 : i1 to i32
      %sign3A_369 = arith.constant 0 : i32
      %sign3A_370 = arith.cmpi slt, %jit3A_357, %sign3A_369 : i32
      %sign3A_371 = arith.extui %sign3A_370 : i1 to i32
      %sign3A_372 = arith.subi %sign3A_368, %sign3A_371 : i32
      %ne3A_373 = arith.cmpi ne, %sign3A_365, %sign3A_372 : i32
      %rem3A_374 = arith.remsi %min3A_356, %jit3A_357 : i32
      %ne3A_375 = arith.constant 0 : i32
      %ne3A_376 = arith.cmpi ne, %rem3A_374, %ne3A_375 : i32
      %and3A_377 = arith.andi %ne3A_373, %ne3A_376 : i1
      %sub3A_378 = arith.constant 1 : i32
      %sub3A_379 = arith.subi %div3A_358, %sub3A_378 : i32
      %select_n3A_380 = arith.select %and3A_377, %sub3A_379, %div3A_358 : i32
      %jit3A_381 = arith.constant 1 : i32
      %eq3A_382 = arith.constant 0 : i32
      %eq3A_383 = arith.cmpi eq, %jit3A_381, %eq3A_382 : i32
      %jit3A_384 = arith.constant 1 : i32
      %select_n3A_385 = arith.select %eq3A_383, %jit3A_384, %jit3A_381 : i32
      %rem3A_386 = arith.remsi %min3A_356, %select_n3A_385 : i32
      %ne3A_387 = arith.constant 0 : i32
      %ne3A_388 = arith.cmpi ne, %rem3A_386, %ne3A_387 : i32
      %lt3A_389 = arith.constant 0 : i32
      %lt3A_390 = arith.cmpi slt, %rem3A_386, %lt3A_389 : i32
      %lt3A_391 = arith.constant 0 : i32
      %lt3A_392 = arith.cmpi slt, %select_n3A_385, %lt3A_391 : i32
      %ne3A_393 = arith.xori %lt3A_390, %lt3A_392 : i1
      %and3A_394 = arith.andi %ne3A_393, %ne3A_388 : i1
      %add3A_395 = arith.addi %rem3A_386, %select_n3A_385 : i32
      %select_n3A_396 = arith.select %and3A_394, %add3A_395, %rem3A_386 : i32
      %mul3A_397 = arith.constant 512 : i32
      %mul3A_398 = arith.muli %select_n3A_396, %mul3A_397 : i32
      %add3A_399 = arith.addi %mul3A_2, %mul3A_398 : i32
      %mul3A_400 = arith.constant 4 : i32
      %mul3A_401 = arith.muli %select_n3A_380, %mul3A_400 : i32
      %dma_wait3A_402 = tpu.memref_slice %arg3[%mul3A_401, %add3A_399] : memref<200x16384xi32, #tpu.memory_space<hbm>> -> memref<4x512xi32, #tpu.memory_space<hbm>>
      %dma_wait3A_403 = tpu.memref_slice %arg3[%mul3A_401, %add3A_399] : memref<200x16384xi32, #tpu.memory_space<hbm>> -> memref<4x512xi32, #tpu.memory_space<hbm>>
      tpu.wait_dma2 semaphore(%arg11 : memref<!tpu.dma_semaphore, #tpu.memory_space<semaphore_mem>>) src(%dma_wait3A_403 : memref<4x512xi32, #tpu.memory_space<hbm>>) dst(%arg7 : memref<4x512xi32, #tpu.memory_space<vmem>>)
      %gt3A_404 = arith.constant 0 : i32
      %gt3A_405 = arith.cmpi sgt, %scan3A_234, %gt3A_404 : i32
      %convert_element_type3A_406 = arith.extui %gt3A_405 : i1 to i32
      %cond3A_407 = arith.constant 0 : i32
      %cond3A_408 = arith.cmpi ne, %convert_element_type3A_406, %cond3A_407 : i32
      scf.if %cond3A_408 {
        %dma_wait3A_470 = arith.constant 0 : i32
        %dma_wait3A_471 = tpu.memref_slice %arg4[%mul3A_401, %dma_wait3A_470, %add3A_399] : memref<200x16x16384xf32, #tpu.memory_space<hbm>> -> memref<4x16x512xf32, #tpu.memory_space<hbm>>
        %dma_wait3A_472 = arith.constant 0 : i32
        %dma_wait3A_473 = tpu.memref_slice %arg4[%mul3A_401, %dma_wait3A_472, %add3A_399] : memref<200x16x16384xf32, #tpu.memory_space<hbm>> -> memref<4x16x512xf32, #tpu.memory_space<hbm>>
        tpu.wait_dma2 semaphore(%arg13 : memref<!tpu.dma_semaphore, #tpu.memory_space<semaphore_mem>>) src(%arg9 : memref<4x16x512xf32, #tpu.memory_space<vmem>>) dst(%dma_wait3A_473 : memref<4x16x512xf32, #tpu.memory_space<hbm>>)
      } else {
      }
      %scan3A_409 = arith.constant 0 : i32
      %scan3A_410 = arith.constant 0 : i32
      %scan3A_411 = arith.constant 4 : i32
      %scan3A_412 = arith.addi %scan3A_410, %scan3A_411 : i32
      %scan3A_413 = arith.constant 1 : i32
      scf.for %scan3A_470 = %scan3A_410 to %scan3A_412 step %scan3A_413  : i32 {
        %scan3A_471 = arith.constant 0 : i32
        %scan3A_472 = arith.constant 0 : i32
        %scan3A_473 = arith.constant 32 : i32
        %scan3A_474 = arith.addi %scan3A_472, %scan3A_473 : i32
        %scan3A_475 = arith.constant 2 : i32
        scf.for %scan3A_477 = %scan3A_472 to %scan3A_474 step %scan3A_475  : i32 {
          %mul3A_478 = arith.constant 16 : i32
          %mul3A_479 = arith.muli %scan3A_477, %mul3A_478 : i32
          %get3A_480 = arith.index_cast %scan3A_470 : i32 to index
          %get3A_481 = arith.index_cast %mul3A_479 : i32 to index
          %get3A_482 = tpu.vector_load %arg7[%get3A_480, %get3A_481] {strides = array<i32>} : memref<4x512xi32, #tpu.memory_space<vmem>>, vector<16xi32>,
          %broadcast_in_dim3A = vector.shape_cast %get3A_482 : vector<16xi32> to vector<16x1xi32>
          %gather3A = vector.shape_cast %broadcast_in_dim3A : vector<16x1xi32> to vector<16xi32>
          %gather3A_483 = tpu.dynamic_gather %get3A_3[%gather3A] in [0] : vector<16xf32>, vector<16xi32> -> vector<16xf32>
          %mul3A_484 = arith.constant 16 : i32
          %mul3A_485 = arith.muli %scan3A_477, %mul3A_484 : i32
          %swap3A = arith.constant 0 : i32
          %swap3A_486 = arith.index_cast %scan3A_470 : i32 to index
          %swap3A_487 = arith.index_cast %swap3A : i32 to index
          %swap3A_488 = arith.index_cast %mul3A_485 : i32 to index
          %swap3A_489 = tpu.vector_load %arg9[%swap3A_486, %swap3A_487, %swap3A_488] {strides = array<i32>} : memref<4x16x512xf32, #tpu.memory_space<vmem>>, vector<16xf32>,
          tpu.vector_store %arg9[%swap3A_486, %swap3A_487, %swap3A_488], %gather3A_483 {strides = array<i32>} : memref<4x16x512xf32, #tpu.memory_space<vmem>>, vector<16xf32>,
          %broadcast_in_dim3A_490 = vector.shape_cast %get3A_482 : vector<16xi32> to vector<16x1xi32>
          %gather3A_491 = vector.shape_cast %broadcast_in_dim3A_490 : vector<16x1xi32> to vector<16xi32>
          %gather3A_492 = tpu.dynamic_gather %get3A_5[%gather3A_491] in [0] : vector<16xf32>, vector<16xi32> -> vector<16xf32>
          %mul3A_493 = arith.constant 16 : i32
          %mul3A_494 = arith.muli %scan3A_477, %mul3A_493 : i32
          %swap3A_495 = arith.constant 1 : i32
          %swap3A_496 = arith.index_cast %scan3A_470 : i32 to index
          %swap3A_497 = arith.index_cast %swap3A_495 : i32 to index
          %swap3A_498 = arith.index_cast %mul3A_494 : i32 to index
          %swap3A_499 = tpu.vector_load %arg9[%swap3A_496, %swap3A_497, %swap3A_498] {strides = array<i32>} : memref<4x16x512xf32, #tpu.memory_space<vmem>>, vector<16xf32>,
          tpu.vector_store %arg9[%swap3A_496, %swap3A_497, %swap3A_498], %gather3A_492 {strides = array<i32>} : memref<4x16x512xf32, #tpu.memory_space<vmem>>, vector<16xf32>,
          %broadcast_in_dim3A_500 = vector.shape_cast %get3A_482 : vector<16xi32> to vector<16x1xi32>
          %gather3A_501 = vector.shape_cast %broadcast_in_dim3A_500 : vector<16x1xi32> to vector<16xi32>
          %gather3A_502 = tpu.dynamic_gather %get3A_7[%gather3A_501] in [0] : vector<16xf32>, vector<16xi32> -> vector<16xf32>
          %mul3A_503 = arith.constant 16 : i32
          %mul3A_504 = arith.muli %scan3A_477, %mul3A_503 : i32
          %swap3A_505 = arith.constant 2 : i32
          %swap3A_506 = arith.index_cast %scan3A_470 : i32 to index
          %swap3A_507 = arith.index_cast %swap3A_505 : i32 to index
          %swap3A_508 = arith.index_cast %mul3A_504 : i32 to index
          %swap3A_509 = tpu.vector_load %arg9[%swap3A_506, %swap3A_507, %swap3A_508] {strides = array<i32>} : memref<4x16x512xf32, #tpu.memory_space<vmem>>, vector<16xf32>,
          tpu.vector_store %arg9[%swap3A_506, %swap3A_507, %swap3A_508], %gather3A_502 {strides = array<i32>} : memref<4x16x512xf32, #tpu.memory_space<vmem>>, vector<16xf32>,
          %broadcast_in_dim3A_510 = vector.shape_cast %get3A_482 : vector<16xi32> to vector<16x1xi32>
          %gather3A_511 = vector.shape_cast %broadcast_in_dim3A_510 : vector<16x1xi32> to vector<16xi32>
          %gather3A_512 = tpu.dynamic_gather %get3A_9[%gather3A_511] in [0] : vector<16xf32>, vector<16xi32> -> vector<16xf32>
          %mul3A_513 = arith.constant 16 : i32
          %mul3A_514 = arith.muli %scan3A_477, %mul3A_513 : i32
          %swap3A_515 = arith.constant 3 : i32
          %swap3A_516 = arith.index_cast %scan3A_470 : i32 to index
          %swap3A_517 = arith.index_cast %swap3A_515 : i32 to index
          %swap3A_518 = arith.index_cast %mul3A_514 : i32 to index
          %swap3A_519 = tpu.vector_load %arg9[%swap3A_516, %swap3A_517, %swap3A_518] {strides = array<i32>} : memref<4x16x512xf32, #tpu.memory_space<vmem>>, vector<16xf32>,
          tpu.vector_store %arg9[%swap3A_516, %swap3A_517, %swap3A_518], %gather3A_512 {strides = array<i32>} : memref<4x16x512xf32, #tpu.memory_space<vmem>>, vector<16xf32>,
          %broadcast_in_dim3A_520 = vector.shape_cast %get3A_482 : vector<16xi32> to vector<16x1xi32>
          %gather3A_521 = vector.shape_cast %broadcast_in_dim3A_520 : vector<16x1xi32> to vector<16xi32>
          %gather3A_522 = tpu.dynamic_gather %get3A_11[%gather3A_521] in [0] : vector<16xf32>, vector<16xi32> -> vector<16xf32>
          %mul3A_523 = arith.constant 16 : i32
          %mul3A_524 = arith.muli %scan3A_477, %mul3A_523 : i32
          %swap3A_525 = arith.constant 4 : i32
          %swap3A_526 = arith.index_cast %scan3A_470 : i32 to index
          %swap3A_527 = arith.index_cast %swap3A_525 : i32 to index
          %swap3A_528 = arith.index_cast %mul3A_524 : i32 to index
          %swap3A_529 = tpu.vector_load %arg9[%swap3A_526, %swap3A_527, %swap3A_528] {strides = array<i32>} : memref<4x16x512xf32, #tpu.memory_space<vmem>>, vector<16xf32>,
          tpu.vector_store %arg9[%swap3A_526, %swap3A_527, %swap3A_528], %gather3A_522 {strides = array<i32>} : memref<4x16x512xf32, #tpu.memory_space<vmem>>, vector<16xf32>,
          %broadcast_in_dim3A_530 = vector.shape_cast %get3A_482 : vector<16xi32> to vector<16x1xi32>
          %gather3A_531 = vector.shape_cast %broadcast_in_dim3A_530 : vector<16x1xi32> to vector<16xi32>
          %gather3A_532 = tpu.dynamic_gather %get3A_13[%gather3A_531] in [0] : vector<16xf32>, vector<16xi32> -> vector<16xf32>
          %mul3A_533 = arith.constant 16 : i32
          %mul3A_534 = arith.muli %scan3A_477, %mul3A_533 : i32
          %swap3A_535 = arith.constant 5 : i32
          %swap3A_536 = arith.index_cast %scan3A_470 : i32 to index
          %swap3A_537 = arith.index_cast %swap3A_535 : i32 to index
          %swap3A_538 = arith.index_cast %mul3A_534 : i32 to index
          %swap3A_539 = tpu.vector_load %arg9[%swap3A_536, %swap3A_537, %swap3A_538] {strides = array<i32>} : memref<4x16x512xf32, #tpu.memory_space<vmem>>, vector<16xf32>,
          tpu.vector_store %arg9[%swap3A_536, %swap3A_537, %swap3A_538], %gather3A_532 {strides = array<i32>} : memref<4x16x512xf32, #tpu.memory_space<vmem>>, vector<16xf32>,
          %broadcast_in_dim3A_540 = vector.shape_cast %get3A_482 : vector<16xi32> to vector<16x1xi32>
          %gather3A_541 = vector.shape_cast %broadcast_in_dim3A_540 : vector<16x1xi32> to vector<16xi32>
          %gather3A_542 = tpu.dynamic_gather %get3A_15[%gather3A_541] in [0] : vector<16xf32>, vector<16xi32> -> vector<16xf32>
          %mul3A_543 = arith.constant 16 : i32
          %mul3A_544 = arith.muli %scan3A_477, %mul3A_543 : i32
          %swap3A_545 = arith.constant 6 : i32
          %swap3A_546 = arith.index_cast %scan3A_470 : i32 to index
          %swap3A_547 = arith.index_cast %swap3A_545 : i32 to index
          %swap3A_548 = arith.index_cast %mul3A_544 : i32 to index
          %swap3A_549 = tpu.vector_load %arg9[%swap3A_546, %swap3A_547, %swap3A_548] {strides = array<i32>} : memref<4x16x512xf32, #tpu.memory_space<vmem>>, vector<16xf32>,
          tpu.vector_store %arg9[%swap3A_546, %swap3A_547, %swap3A_548], %gather3A_542 {strides = array<i32>} : memref<4x16x512xf32, #tpu.memory_space<vmem>>, vector<16xf32>,
          %broadcast_in_dim3A_550 = vector.shape_cast %get3A_482 : vector<16xi32> to vector<16x1xi32>
          %gather3A_551 = vector.shape_cast %broadcast_in_dim3A_550 : vector<16x1xi32> to vector<16xi32>
          %gather3A_552 = tpu.dynamic_gather %get3A_17[%gather3A_551] in [0] : vector<16xf32>, vector<16xi32> -> vector<16xf32>
          %mul3A_553 = arith.constant 16 : i32
          %mul3A_554 = arith.muli %scan3A_477, %mul3A_553 : i32
          %swap3A_555 = arith.constant 7 : i32
          %swap3A_556 = arith.index_cast %scan3A_470 : i32 to index
          %swap3A_557 = arith.index_cast %swap3A_555 : i32 to index
          %swap3A_558 = arith.index_cast %mul3A_554 : i32 to index
          %swap3A_559 = tpu.vector_load %arg9[%swap3A_556, %swap3A_557, %swap3A_558] {strides = array<i32>} : memref<4x16x512xf32, #tpu.memory_space<vmem>>, vector<16xf32>,
          tpu.vector_store %arg9[%swap3A_556, %swap3A_557, %swap3A_558], %gather3A_552 {strides = array<i32>} : memref<4x16x512xf32, #tpu.memory_space<vmem>>, vector<16xf32>,
          %broadcast_in_dim3A_560 = vector.shape_cast %get3A_482 : vector<16xi32> to vector<16x1xi32>
          %gather3A_561 = vector.shape_cast %broadcast_in_dim3A_560 : vector<16x1xi32> to vector<16xi32>
          %gather3A_562 = tpu.dynamic_gather %get3A_19[%gather3A_561] in [0] : vector<16xf32>, vector<16xi32> -> vector<16xf32>
          %mul3A_563 = arith.constant 16 : i32
          %mul3A_564 = arith.muli %scan3A_477, %mul3A_563 : i32
          %swap3A_565 = arith.constant 8 : i32
          %swap3A_566 = arith.index_cast %scan3A_470 : i32 to index
          %swap3A_567 = arith.index_cast %swap3A_565 : i32 to index
          %swap3A_568 = arith.index_cast %mul3A_564 : i32 to index
          %swap3A_569 = tpu.vector_load %arg9[%swap3A_566, %swap3A_567, %swap3A_568] {strides = array<i32>} : memref<4x16x512xf32, #tpu.memory_space<vmem>>, vector<16xf32>,
          tpu.vector_store %arg9[%swap3A_566, %swap3A_567, %swap3A_568], %gather3A_562 {strides = array<i32>} : memref<4x16x512xf32, #tpu.memory_space<vmem>>, vector<16xf32>,
          %broadcast_in_dim3A_570 = vector.shape_cast %get3A_482 : vector<16xi32> to vector<16x1xi32>
          %gather3A_571 = vector.shape_cast %broadcast_in_dim3A_570 : vector<16x1xi32> to vector<16xi32>
          %gather3A_572 = tpu.dynamic_gather %get3A_21[%gather3A_571] in [0] : vector<16xf32>, vector<16xi32> -> vector<16xf32>
          %mul3A_573 = arith.constant 16 : i32
          %mul3A_574 = arith.muli %scan3A_477, %mul3A_573 : i32
          %swap3A_575 = arith.constant 9 : i32
          %swap3A_576 = arith.index_cast %scan3A_470 : i32 to index
          %swap3A_577 = arith.index_cast %swap3A_575 : i32 to index
          %swap3A_578 = arith.index_cast %mul3A_574 : i32 to index
          %swap3A_579 = tpu.vector_load %arg9[%swap3A_576, %swap3A_577, %swap3A_578] {strides = array<i32>} : memref<4x16x512xf32, #tpu.memory_space<vmem>>, vector<16xf32>,
          tpu.vector_store %arg9[%swap3A_576, %swap3A_577, %swap3A_578], %gather3A_572 {strides = array<i32>} : memref<4x16x512xf32, #tpu.memory_space<vmem>>, vector<16xf32>,
          %broadcast_in_dim3A_580 = vector.shape_cast %get3A_482 : vector<16xi32> to vector<16x1xi32>
          %gather3A_581 = vector.shape_cast %broadcast_in_dim3A_580 : vector<16x1xi32> to vector<16xi32>
          %gather3A_582 = tpu.dynamic_gather %get3A_23[%gather3A_581] in [0] : vector<16xf32>, vector<16xi32> -> vector<16xf32>
          %mul3A_583 = arith.constant 16 : i32
          %mul3A_584 = arith.muli %scan3A_477, %mul3A_583 : i32
          %swap3A_585 = arith.constant 10 : i32
          %swap3A_586 = arith.index_cast %scan3A_470 : i32 to index
          %swap3A_587 = arith.index_cast %swap3A_585 : i32 to index
          %swap3A_588 = arith.index_cast %mul3A_584 : i32 to index
          %swap3A_589 = tpu.vector_load %arg9[%swap3A_586, %swap3A_587, %swap3A_588] {strides = array<i32>} : memref<4x16x512xf32, #tpu.memory_space<vmem>>, vector<16xf32>,
          tpu.vector_store %arg9[%swap3A_586, %swap3A_587, %swap3A_588], %gather3A_582 {strides = array<i32>} : memref<4x16x512xf32, #tpu.memory_space<vmem>>, vector<16xf32>,
          %broadcast_in_dim3A_590 = vector.shape_cast %get3A_482 : vector<16xi32> to vector<16x1xi32>
          %gather3A_591 = vector.shape_cast %broadcast_in_dim3A_590 : vector<16x1xi32> to vector<16xi32>
          %gather3A_592 = tpu.dynamic_gather %get3A_25[%gather3A_591] in [0] : vector<16xf32>, vector<16xi32> -> vector<16xf32>
          %mul3A_593 = arith.constant 16 : i32
          %mul3A_594 = arith.muli %scan3A_477, %mul3A_593 : i32
          %swap3A_595 = arith.constant 11 : i32
          %swap3A_596 = arith.index_cast %scan3A_470 : i32 to index
          %swap3A_597 = arith.index_cast %swap3A_595 : i32 to index
          %swap3A_598 = arith.index_cast %mul3A_594 : i32 to index
          %swap3A_599 = tpu.vector_load %arg9[%swap3A_596, %swap3A_597, %swap3A_598] {strides = array<i32>} : memref<4x16x512xf32, #tpu.memory_space<vmem>>, vector<16xf32>,
          tpu.vector_store %arg9[%swap3A_596, %swap3A_597, %swap3A_598], %gather3A_592 {strides = array<i32>} : memref<4x16x512xf32, #tpu.memory_space<vmem>>, vector<16xf32>,
          %broadcast_in_dim3A_600 = vector.shape_cast %get3A_482 : vector<16xi32> to vector<16x1xi32>
          %gather3A_601 = vector.shape_cast %broadcast_in_dim3A_600 : vector<16x1xi32> to vector<16xi32>
          %gather3A_602 = tpu.dynamic_gather %get3A_27[%gather3A_601] in [0] : vector<16xf32>, vector<16xi32> -> vector<16xf32>
          %mul3A_603 = arith.constant 16 : i32
          %mul3A_604 = arith.muli %scan3A_477, %mul3A_603 : i32
          %swap3A_605 = arith.constant 12 : i32
          %swap3A_606 = arith.index_cast %scan3A_470 : i32 to index
          %swap3A_607 = arith.index_cast %swap3A_605 : i32 to index
          %swap3A_608 = arith.index_cast %mul3A_604 : i32 to index
          %swap3A_609 = tpu.vector_load %arg9[%swap3A_606, %swap3A_607, %swap3A_608] {strides = array<i32>} : memref<4x16x512xf32, #tpu.memory_space<vmem>>, vector<16xf32>,
          tpu.vector_store %arg9[%swap3A_606, %swap3A_607, %swap3A_608], %gather3A_602 {strides = array<i32>} : memref<4x16x512xf32, #tpu.memory_space<vmem>>, vector<16xf32>,
          %broadcast_in_dim3A_610 = vector.shape_cast %get3A_482 : vector<16xi32> to vector<16x1xi32>
          %gather3A_611 = vector.shape_cast %broadcast_in_dim3A_610 : vector<16x1xi32> to vector<16xi32>
          %gather3A_612 = tpu.dynamic_gather %get3A_29[%gather3A_611] in [0] : vector<16xf32>, vector<16xi32> -> vector<16xf32>
          %mul3A_613 = arith.constant 16 : i32
          %mul3A_614 = arith.muli %scan3A_477, %mul3A_613 : i32
          %swap3A_615 = arith.constant 13 : i32
          %swap3A_616 = arith.index_cast %scan3A_470 : i32 to index
          %swap3A_617 = arith.index_cast %swap3A_615 : i32 to index
          %swap3A_618 = arith.index_cast %mul3A_614 : i32 to index
          %swap3A_619 = tpu.vector_load %arg9[%swap3A_616, %swap3A_617, %swap3A_618] {strides = array<i32>} : memref<4x16x512xf32, #tpu.memory_space<vmem>>, vector<16xf32>,
          tpu.vector_store %arg9[%swap3A_616, %swap3A_617, %swap3A_618], %gather3A_612 {strides = array<i32>} : memref<4x16x512xf32, #tpu.memory_space<vmem>>, vector<16xf32>,
          %broadcast_in_dim3A_620 = vector.shape_cast %get3A_482 : vector<16xi32> to vector<16x1xi32>
          %gather3A_621 = vector.shape_cast %broadcast_in_dim3A_620 : vector<16x1xi32> to vector<16xi32>
          %gather3A_622 = tpu.dynamic_gather %get3A_31[%gather3A_621] in [0] : vector<16xf32>, vector<16xi32> -> vector<16xf32>
          %mul3A_623 = arith.constant 16 : i32
          %mul3A_624 = arith.muli %scan3A_477, %mul3A_623 : i32
          %swap3A_625 = arith.constant 14 : i32
          %swap3A_626 = arith.index_cast %scan3A_470 : i32 to index
          %swap3A_627 = arith.index_cast %swap3A_625 : i32 to index
          %swap3A_628 = arith.index_cast %mul3A_624 : i32 to index
          %swap3A_629 = tpu.vector_load %arg9[%swap3A_626, %swap3A_627, %swap3A_628] {strides = array<i32>} : memref<4x16x512xf32, #tpu.memory_space<vmem>>, vector<16xf32>,
          tpu.vector_store %arg9[%swap3A_626, %swap3A_627, %swap3A_628], %gather3A_622 {strides = array<i32>} : memref<4x16x512xf32, #tpu.memory_space<vmem>>, vector<16xf32>,
          %broadcast_in_dim3A_630 = vector.shape_cast %get3A_482 : vector<16xi32> to vector<16x1xi32>
          %gather3A_631 = vector.shape_cast %broadcast_in_dim3A_630 : vector<16x1xi32> to vector<16xi32>
          %gather3A_632 = tpu.dynamic_gather %get3A_33[%gather3A_631] in [0] : vector<16xf32>, vector<16xi32> -> vector<16xf32>
          %mul3A_633 = arith.constant 16 : i32
          %mul3A_634 = arith.muli %scan3A_477, %mul3A_633 : i32
          %swap3A_635 = arith.constant 15 : i32
          %swap3A_636 = arith.index_cast %scan3A_470 : i32 to index
          %swap3A_637 = arith.index_cast %swap3A_635 : i32 to index
          %swap3A_638 = arith.index_cast %mul3A_634 : i32 to index
          %swap3A_639 = tpu.vector_load %arg9[%swap3A_636, %swap3A_637, %swap3A_638] {strides = array<i32>} : memref<4x16x512xf32, #tpu.memory_space<vmem>>, vector<16xf32>,
          tpu.vector_store %arg9[%swap3A_636, %swap3A_637, %swap3A_638], %gather3A_632 {strides = array<i32>} : memref<4x16x512xf32, #tpu.memory_space<vmem>>, vector<16xf32>,
          %scan3A_640 = arith.constant 1 : i32
          %scan3A_641 = arith.addi %scan3A_477, %scan3A_640 : i32
          %mul3A_642 = arith.constant 16 : i32
          %mul3A_643 = arith.muli %scan3A_641, %mul3A_642 : i32
          %get3A_644 = arith.index_cast %scan3A_470 : i32 to index
          %get3A_645 = arith.index_cast %mul3A_643 : i32 to index
          %get3A_646 = tpu.vector_load %arg7[%get3A_644, %get3A_645] {strides = array<i32>} : memref<4x512xi32, #tpu.memory_space<vmem>>, vector<16xi32>,
          %broadcast_in_dim3A_647 = vector.shape_cast %get3A_646 : vector<16xi32> to vector<16x1xi32>
          %gather3A_648 = vector.shape_cast %broadcast_in_dim3A_647 : vector<16x1xi32> to vector<16xi32>
          %gather3A_649 = tpu.dynamic_gather %get3A_3[%gather3A_648] in [0] : vector<16xf32>, vector<16xi32> -> vector<16xf32>
          %mul3A_650 = arith.constant 16 : i32
          %mul3A_651 = arith.muli %scan3A_641, %mul3A_650 : i32
          %swap3A_652 = arith.constant 0 : i32
          %swap3A_653 = arith.index_cast %scan3A_470 : i32 to index
          %swap3A_654 = arith.index_cast %swap3A_652 : i32 to index
          %swap3A_655 = arith.index_cast %mul3A_651 : i32 to index
          %swap3A_656 = tpu.vector_load %arg9[%swap3A_653, %swap3A_654, %swap3A_655] {strides = array<i32>} : memref<4x16x512xf32, #tpu.memory_space<vmem>>, vector<16xf32>,
          tpu.vector_store %arg9[%swap3A_653, %swap3A_654, %swap3A_655], %gather3A_649 {strides = array<i32>} : memref<4x16x512xf32, #tpu.memory_space<vmem>>, vector<16xf32>,
          %broadcast_in_dim3A_657 = vector.shape_cast %get3A_646 : vector<16xi32> to vector<16x1xi32>
          %gather3A_658 = vector.shape_cast %broadcast_in_dim3A_657 : vector<16x1xi32> to vector<16xi32>
          %gather3A_659 = tpu.dynamic_gather %get3A_5[%gather3A_658] in [0] : vector<16xf32>, vector<16xi32> -> vector<16xf32>
          %mul3A_660 = arith.constant 16 : i32
          %mul3A_661 = arith.muli %scan3A_641, %mul3A_660 : i32
          %swap3A_662 = arith.constant 1 : i32
          %swap3A_663 = arith.index_cast %scan3A_470 : i32 to index
          %swap3A_664 = arith.index_cast %swap3A_662 : i32 to index
          %swap3A_665 = arith.index_cast %mul3A_661 : i32 to index
          %swap3A_666 = tpu.vector_load %arg9[%swap3A_663, %swap3A_664, %swap3A_665] {strides = array<i32>} : memref<4x16x512xf32, #tpu.memory_space<vmem>>, vector<16xf32>,
          tpu.vector_store %arg9[%swap3A_663, %swap3A_664, %swap3A_665], %gather3A_659 {strides = array<i32>} : memref<4x16x512xf32, #tpu.memory_space<vmem>>, vector<16xf32>,
          %broadcast_in_dim3A_667 = vector.shape_cast %get3A_646 : vector<16xi32> to vector<16x1xi32>
          %gather3A_668 = vector.shape_cast %broadcast_in_dim3A_667 : vector<16x1xi32> to vector<16xi32>
          %gather3A_669 = tpu.dynamic_gather %get3A_7[%gather3A_668] in [0] : vector<16xf32>, vector<16xi32> -> vector<16xf32>
          %mul3A_670 = arith.constant 16 : i32
          %mul3A_671 = arith.muli %scan3A_641, %mul3A_670 : i32
          %swap3A_672 = arith.constant 2 : i32
          %swap3A_673 = arith.index_cast %scan3A_470 : i32 to index
          %swap3A_674 = arith.index_cast %swap3A_672 : i32 to index
          %swap3A_675 = arith.index_cast %mul3A_671 : i32 to index
          %swap3A_676 = tpu.vector_load %arg9[%swap3A_673, %swap3A_674, %swap3A_675] {strides = array<i32>} : memref<4x16x512xf32, #tpu.memory_space<vmem>>, vector<16xf32>,
          tpu.vector_store %arg9[%swap3A_673, %swap3A_674, %swap3A_675], %gather3A_669 {strides = array<i32>} : memref<4x16x512xf32, #tpu.memory_space<vmem>>, vector<16xf32>,
          %broadcast_in_dim3A_677 = vector.shape_cast %get3A_646 : vector<16xi32> to vector<16x1xi32>
          %gather3A_678 = vector.shape_cast %broadcast_in_dim3A_677 : vector<16x1xi32> to vector<16xi32>
          %gather3A_679 = tpu.dynamic_gather %get3A_9[%gather3A_678] in [0] : vector<16xf32>, vector<16xi32> -> vector<16xf32>
          %mul3A_680 = arith.constant 16 : i32
          %mul3A_681 = arith.muli %scan3A_641, %mul3A_680 : i32
          %swap3A_682 = arith.constant 3 : i32
          %swap3A_683 = arith.index_cast %scan3A_470 : i32 to index
          %swap3A_684 = arith.index_cast %swap3A_682 : i32 to index
          %swap3A_685 = arith.index_cast %mul3A_681 : i32 to index
          %swap3A_686 = tpu.vector_load %arg9[%swap3A_683, %swap3A_684, %swap3A_685] {strides = array<i32>} : memref<4x16x512xf32, #tpu.memory_space<vmem>>, vector<16xf32>,
          tpu.vector_store %arg9[%swap3A_683, %swap3A_684, %swap3A_685], %gather3A_679 {strides = array<i32>} : memref<4x16x512xf32, #tpu.memory_space<vmem>>, vector<16xf32>,
          %broadcast_in_dim3A_687 = vector.shape_cast %get3A_646 : vector<16xi32> to vector<16x1xi32>
          %gather3A_688 = vector.shape_cast %broadcast_in_dim3A_687 : vector<16x1xi32> to vector<16xi32>
          %gather3A_689 = tpu.dynamic_gather %get3A_11[%gather3A_688] in [0] : vector<16xf32>, vector<16xi32> -> vector<16xf32>
          %mul3A_690 = arith.constant 16 : i32
          %mul3A_691 = arith.muli %scan3A_641, %mul3A_690 : i32
          %swap3A_692 = arith.constant 4 : i32
          %swap3A_693 = arith.index_cast %scan3A_470 : i32 to index
          %swap3A_694 = arith.index_cast %swap3A_692 : i32 to index
          %swap3A_695 = arith.index_cast %mul3A_691 : i32 to index
          %swap3A_696 = tpu.vector_load %arg9[%swap3A_693, %swap3A_694, %swap3A_695] {strides = array<i32>} : memref<4x16x512xf32, #tpu.memory_space<vmem>>, vector<16xf32>,
          tpu.vector_store %arg9[%swap3A_693, %swap3A_694, %swap3A_695], %gather3A_689 {strides = array<i32>} : memref<4x16x512xf32, #tpu.memory_space<vmem>>, vector<16xf32>,
          %broadcast_in_dim3A_697 = vector.shape_cast %get3A_646 : vector<16xi32> to vector<16x1xi32>
          %gather3A_698 = vector.shape_cast %broadcast_in_dim3A_697 : vector<16x1xi32> to vector<16xi32>
          %gather3A_699 = tpu.dynamic_gather %get3A_13[%gather3A_698] in [0] : vector<16xf32>, vector<16xi32> -> vector<16xf32>
          %mul3A_700 = arith.constant 16 : i32
          %mul3A_701 = arith.muli %scan3A_641, %mul3A_700 : i32
          %swap3A_702 = arith.constant 5 : i32
          %swap3A_703 = arith.index_cast %scan3A_470 : i32 to index
          %swap3A_704 = arith.index_cast %swap3A_702 : i32 to index
          %swap3A_705 = arith.index_cast %mul3A_701 : i32 to index
          %swap3A_706 = tpu.vector_load %arg9[%swap3A_703, %swap3A_704, %swap3A_705] {strides = array<i32>} : memref<4x16x512xf32, #tpu.memory_space<vmem>>, vector<16xf32>,
          tpu.vector_store %arg9[%swap3A_703, %swap3A_704, %swap3A_705], %gather3A_699 {strides = array<i32>} : memref<4x16x512xf32, #tpu.memory_space<vmem>>, vector<16xf32>,
          %broadcast_in_dim3A_707 = vector.shape_cast %get3A_646 : vector<16xi32> to vector<16x1xi32>
          %gather3A_708 = vector.shape_cast %broadcast_in_dim3A_707 : vector<16x1xi32> to vector<16xi32>
          %gather3A_709 = tpu.dynamic_gather %get3A_15[%gather3A_708] in [0] : vector<16xf32>, vector<16xi32> -> vector<16xf32>
          %mul3A_710 = arith.constant 16 : i32
          %mul3A_711 = arith.muli %scan3A_641, %mul3A_710 : i32
          %swap3A_712 = arith.constant 6 : i32
          %swap3A_713 = arith.index_cast %scan3A_470 : i32 to index
          %swap3A_714 = arith.index_cast %swap3A_712 : i32 to index
          %swap3A_715 = arith.index_cast %mul3A_711 : i32 to index
          %swap3A_716 = tpu.vector_load %arg9[%swap3A_713, %swap3A_714, %swap3A_715] {strides = array<i32>} : memref<4x16x512xf32, #tpu.memory_space<vmem>>, vector<16xf32>,
          tpu.vector_store %arg9[%swap3A_713, %swap3A_714, %swap3A_715], %gather3A_709 {strides = array<i32>} : memref<4x16x512xf32, #tpu.memory_space<vmem>>, vector<16xf32>,
          %broadcast_in_dim3A_717 = vector.shape_cast %get3A_646 : vector<16xi32> to vector<16x1xi32>
          %gather3A_718 = vector.shape_cast %broadcast_in_dim3A_717 : vector<16x1xi32> to vector<16xi32>
          %gather3A_719 = tpu.dynamic_gather %get3A_17[%gather3A_718] in [0] : vector<16xf32>, vector<16xi32> -> vector<16xf32>
          %mul3A_720 = arith.constant 16 : i32
          %mul3A_721 = arith.muli %scan3A_641, %mul3A_720 : i32
          %swap3A_722 = arith.constant 7 : i32
          %swap3A_723 = arith.index_cast %scan3A_470 : i32 to index
          %swap3A_724 = arith.index_cast %swap3A_722 : i32 to index
          %swap3A_725 = arith.index_cast %mul3A_721 : i32 to index
          %swap3A_726 = tpu.vector_load %arg9[%swap3A_723, %swap3A_724, %swap3A_725] {strides = array<i32>} : memref<4x16x512xf32, #tpu.memory_space<vmem>>, vector<16xf32>,
          tpu.vector_store %arg9[%swap3A_723, %swap3A_724, %swap3A_725], %gather3A_719 {strides = array<i32>} : memref<4x16x512xf32, #tpu.memory_space<vmem>>, vector<16xf32>,
          %broadcast_in_dim3A_727 = vector.shape_cast %get3A_646 : vector<16xi32> to vector<16x1xi32>
          %gather3A_728 = vector.shape_cast %broadcast_in_dim3A_727 : vector<16x1xi32> to vector<16xi32>
          %gather3A_729 = tpu.dynamic_gather %get3A_19[%gather3A_728] in [0] : vector<16xf32>, vector<16xi32> -> vector<16xf32>
          %mul3A_730 = arith.constant 16 : i32
          %mul3A_731 = arith.muli %scan3A_641, %mul3A_730 : i32
          %swap3A_732 = arith.constant 8 : i32
          %swap3A_733 = arith.index_cast %scan3A_470 : i32 to index
          %swap3A_734 = arith.index_cast %swap3A_732 : i32 to index
          %swap3A_735 = arith.index_cast %mul3A_731 : i32 to index
          %swap3A_736 = tpu.vector_load %arg9[%swap3A_733, %swap3A_734, %swap3A_735] {strides = array<i32>} : memref<4x16x512xf32, #tpu.memory_space<vmem>>, vector<16xf32>,
          tpu.vector_store %arg9[%swap3A_733, %swap3A_734, %swap3A_735], %gather3A_729 {strides = array<i32>} : memref<4x16x512xf32, #tpu.memory_space<vmem>>, vector<16xf32>,
          %broadcast_in_dim3A_737 = vector.shape_cast %get3A_646 : vector<16xi32> to vector<16x1xi32>
          %gather3A_738 = vector.shape_cast %broadcast_in_dim3A_737 : vector<16x1xi32> to vector<16xi32>
          %gather3A_739 = tpu.dynamic_gather %get3A_21[%gather3A_738] in [0] : vector<16xf32>, vector<16xi32> -> vector<16xf32>
          %mul3A_740 = arith.constant 16 : i32
          %mul3A_741 = arith.muli %scan3A_641, %mul3A_740 : i32
          %swap3A_742 = arith.constant 9 : i32
          %swap3A_743 = arith.index_cast %scan3A_470 : i32 to index
          %swap3A_744 = arith.index_cast %swap3A_742 : i32 to index
          %swap3A_745 = arith.index_cast %mul3A_741 : i32 to index
          %swap3A_746 = tpu.vector_load %arg9[%swap3A_743, %swap3A_744, %swap3A_745] {strides = array<i32>} : memref<4x16x512xf32, #tpu.memory_space<vmem>>, vector<16xf32>,
          tpu.vector_store %arg9[%swap3A_743, %swap3A_744, %swap3A_745], %gather3A_739 {strides = array<i32>} : memref<4x16x512xf32, #tpu.memory_space<vmem>>, vector<16xf32>,
          %broadcast_in_dim3A_747 = vector.shape_cast %get3A_646 : vector<16xi32> to vector<16x1xi32>
          %gather3A_748 = vector.shape_cast %broadcast_in_dim3A_747 : vector<16x1xi32> to vector<16xi32>
          %gather3A_749 = tpu.dynamic_gather %get3A_23[%gather3A_748] in [0] : vector<16xf32>, vector<16xi32> -> vector<16xf32>
          %mul3A_750 = arith.constant 16 : i32
          %mul3A_751 = arith.muli %scan3A_641, %mul3A_750 : i32
          %swap3A_752 = arith.constant 10 : i32
          %swap3A_753 = arith.index_cast %scan3A_470 : i32 to index
          %swap3A_754 = arith.index_cast %swap3A_752 : i32 to index
          %swap3A_755 = arith.index_cast %mul3A_751 : i32 to index
          %swap3A_756 = tpu.vector_load %arg9[%swap3A_753, %swap3A_754, %swap3A_755] {strides = array<i32>} : memref<4x16x512xf32, #tpu.memory_space<vmem>>, vector<16xf32>,
          tpu.vector_store %arg9[%swap3A_753, %swap3A_754, %swap3A_755], %gather3A_749 {strides = array<i32>} : memref<4x16x512xf32, #tpu.memory_space<vmem>>, vector<16xf32>,
          %broadcast_in_dim3A_757 = vector.shape_cast %get3A_646 : vector<16xi32> to vector<16x1xi32>
          %gather3A_758 = vector.shape_cast %broadcast_in_dim3A_757 : vector<16x1xi32> to vector<16xi32>
          %gather3A_759 = tpu.dynamic_gather %get3A_25[%gather3A_758] in [0] : vector<16xf32>, vector<16xi32> -> vector<16xf32>
          %mul3A_760 = arith.constant 16 : i32
          %mul3A_761 = arith.muli %scan3A_641, %mul3A_760 : i32
          %swap3A_762 = arith.constant 11 : i32
          %swap3A_763 = arith.index_cast %scan3A_470 : i32 to index
          %swap3A_764 = arith.index_cast %swap3A_762 : i32 to index
          %swap3A_765 = arith.index_cast %mul3A_761 : i32 to index
          %swap3A_766 = tpu.vector_load %arg9[%swap3A_763, %swap3A_764, %swap3A_765] {strides = array<i32>} : memref<4x16x512xf32, #tpu.memory_space<vmem>>, vector<16xf32>,
          tpu.vector_store %arg9[%swap3A_763, %swap3A_764, %swap3A_765], %gather3A_759 {strides = array<i32>} : memref<4x16x512xf32, #tpu.memory_space<vmem>>, vector<16xf32>,
          %broadcast_in_dim3A_767 = vector.shape_cast %get3A_646 : vector<16xi32> to vector<16x1xi32>
          %gather3A_768 = vector.shape_cast %broadcast_in_dim3A_767 : vector<16x1xi32> to vector<16xi32>
          %gather3A_769 = tpu.dynamic_gather %get3A_27[%gather3A_768] in [0] : vector<16xf32>, vector<16xi32> -> vector<16xf32>
          %mul3A_770 = arith.constant 16 : i32
          %mul3A_771 = arith.muli %scan3A_641, %mul3A_770 : i32
          %swap3A_772 = arith.constant 12 : i32
          %swap3A_773 = arith.index_cast %scan3A_470 : i32 to index
          %swap3A_774 = arith.index_cast %swap3A_772 : i32 to index
          %swap3A_775 = arith.index_cast %mul3A_771 : i32 to index
          %swap3A_776 = tpu.vector_load %arg9[%swap3A_773, %swap3A_774, %swap3A_775] {strides = array<i32>} : memref<4x16x512xf32, #tpu.memory_space<vmem>>, vector<16xf32>,
          tpu.vector_store %arg9[%swap3A_773, %swap3A_774, %swap3A_775], %gather3A_769 {strides = array<i32>} : memref<4x16x512xf32, #tpu.memory_space<vmem>>, vector<16xf32>,
          %broadcast_in_dim3A_777 = vector.shape_cast %get3A_646 : vector<16xi32> to vector<16x1xi32>
          %gather3A_778 = vector.shape_cast %broadcast_in_dim3A_777 : vector<16x1xi32> to vector<16xi32>
          %gather3A_779 = tpu.dynamic_gather %get3A_29[%gather3A_778] in [0] : vector<16xf32>, vector<16xi32> -> vector<16xf32>
          %mul3A_780 = arith.constant 16 : i32
          %mul3A_781 = arith.muli %scan3A_641, %mul3A_780 : i32
          %swap3A_782 = arith.constant 13 : i32
          %swap3A_783 = arith.index_cast %scan3A_470 : i32 to index
          %swap3A_784 = arith.index_cast %swap3A_782 : i32 to index
          %swap3A_785 = arith.index_cast %mul3A_781 : i32 to index
          %swap3A_786 = tpu.vector_load %arg9[%swap3A_783, %swap3A_784, %swap3A_785] {strides = array<i32>} : memref<4x16x512xf32, #tpu.memory_space<vmem>>, vector<16xf32>,
          tpu.vector_store %arg9[%swap3A_783, %swap3A_784, %swap3A_785], %gather3A_779 {strides = array<i32>} : memref<4x16x512xf32, #tpu.memory_space<vmem>>, vector<16xf32>,
          %broadcast_in_dim3A_787 = vector.shape_cast %get3A_646 : vector<16xi32> to vector<16x1xi32>
          %gather3A_788 = vector.shape_cast %broadcast_in_dim3A_787 : vector<16x1xi32> to vector<16xi32>
          %gather3A_789 = tpu.dynamic_gather %get3A_31[%gather3A_788] in [0] : vector<16xf32>, vector<16xi32> -> vector<16xf32>
          %mul3A_790 = arith.constant 16 : i32
          %mul3A_791 = arith.muli %scan3A_641, %mul3A_790 : i32
          %swap3A_792 = arith.constant 14 : i32
          %swap3A_793 = arith.index_cast %scan3A_470 : i32 to index
          %swap3A_794 = arith.index_cast %swap3A_792 : i32 to index
          %swap3A_795 = arith.index_cast %mul3A_791 : i32 to index
          %swap3A_796 = tpu.vector_load %arg9[%swap3A_793, %swap3A_794, %swap3A_795] {strides = array<i32>} : memref<4x16x512xf32, #tpu.memory_space<vmem>>, vector<16xf32>,
          tpu.vector_store %arg9[%swap3A_793, %swap3A_794, %swap3A_795], %gather3A_789 {strides = array<i32>} : memref<4x16x512xf32, #tpu.memory_space<vmem>>, vector<16xf32>,
          %broadcast_in_dim3A_797 = vector.shape_cast %get3A_646 : vector<16xi32> to vector<16x1xi32>
          %gather3A_798 = vector.shape_cast %broadcast_in_dim3A_797 : vector<16x1xi32> to vector<16xi32>
          %gather3A_799 = tpu.dynamic_gather %get3A_33[%gather3A_798] in [0] : vector<16xf32>, vector<16xi32> -> vector<16xf32>
          %mul3A_800 = arith.constant 16 : i32
          %mul3A_801 = arith.muli %scan3A_641, %mul3A_800 : i32
          %swap3A_802 = arith.constant 15 : i32
          %swap3A_803 = arith.index_cast %scan3A_470 : i32 to index
          %swap3A_804 = arith.index_cast %swap3A_802 : i32 to index
          %swap3A_805 = arith.index_cast %mul3A_801 : i32 to index
          %swap3A_806 = tpu.vector_load %arg9[%swap3A_803, %swap3A_804, %swap3A_805] {strides = array<i32>} : memref<4x16x512xf32, #tpu.memory_space<vmem>>, vector<16xf32>,
          tpu.vector_store %arg9[%swap3A_803, %swap3A_804, %swap3A_805], %gather3A_799 {strides = array<i32>} : memref<4x16x512xf32, #tpu.memory_space<vmem>>, vector<16xf32>,
        }
        %scan3A_476 = arith.constant 32 : i32
      }
      %scan3A_414 = arith.constant 4 : i32
      %dma_start3A_415 = arith.constant 0 : i32
      %dma_start3A_416 = tpu.memref_slice %arg4[%mul3A_401, %dma_start3A_415, %add3A_399] : memref<200x16x16384xf32, #tpu.memory_space<hbm>> -> memref<4x16x512xf32, #tpu.memory_space<hbm>>
      %dma_start3A_417 = arith.constant 0 : i32
      %dma_start3A_418 = tpu.memref_slice %arg4[%mul3A_401, %dma_start3A_417, %add3A_399] : memref<200x16x16384xf32, #tpu.memory_space<hbm>> -> memref<4x16x512xf32, #tpu.memory_space<hbm>>
      tpu.enqueue_dma source(%arg9 : memref<4x16x512xf32, #tpu.memory_space<vmem>>) target(%dma_start3A_418 : memref<4x16x512xf32, #tpu.memory_space<hbm>>) target_semaphore(%arg13 : memref<!tpu.dma_semaphore, #tpu.memory_space<semaphore_mem>>)
      %add3A_419 = arith.constant 2 : i32
      %add3A_420 = arith.addi %add3A_354, %add3A_419 : i32
      %min3A_421 = arith.constant 49 : i32
      %min3A_422 = arith.minsi %add3A_420, %min3A_421 : i32
      %jit3A_423 = arith.constant 1 : i32
      %div3A_424 = arith.divsi %min3A_422, %jit3A_423 : i32
      %sign3A_425 = arith.constant 0 : i32
      %sign3A_426 = arith.cmpi sgt, %min3A_422, %sign3A_425 : i32
      %sign3A_427 = arith.extui %sign3A_426 : i1 to i32
      %sign3A_428 = arith.constant 0 : i32
      %sign3A_429 = arith.cmpi slt, %min3A_422, %sign3A_428 : i32
      %sign3A_430 = arith.extui %sign3A_429 : i1 to i32
      %sign3A_431 = arith.subi %sign3A_427, %sign3A_430 : i32
      %sign3A_432 = arith.constant 0 : i32
      %sign3A_433 = arith.cmpi sgt, %jit3A_423, %sign3A_432 : i32
      %sign3A_434 = arith.extui %sign3A_433 : i1 to i32
      %sign3A_435 = arith.constant 0 : i32
      %sign3A_436 = arith.cmpi slt, %jit3A_423, %sign3A_435 : i32
      %sign3A_437 = arith.extui %sign3A_436 : i1 to i32
      %sign3A_438 = arith.subi %sign3A_434, %sign3A_437 : i32
      %ne3A_439 = arith.cmpi ne, %sign3A_431, %sign3A_438 : i32
      %rem3A_440 = arith.remsi %min3A_422, %jit3A_423 : i32
      %ne3A_441 = arith.constant 0 : i32
      %ne3A_442 = arith.cmpi ne, %rem3A_440, %ne3A_441 : i32
      %and3A_443 = arith.andi %ne3A_439, %ne3A_442 : i1
      %sub3A_444 = arith.constant 1 : i32
      %sub3A_445 = arith.subi %div3A_424, %sub3A_444 : i32
      %select_n3A_446 = arith.select %and3A_443, %sub3A_445, %div3A_424 : i32
      %jit3A_447 = arith.constant 1 : i32
      %eq3A_448 = arith.constant 0 : i32
      %eq3A_449 = arith.cmpi eq, %jit3A_447, %eq3A_448 : i32
      %jit3A_450 = arith.constant 1 : i32
      %select_n3A_451 = arith.select %eq3A_449, %jit3A_450, %jit3A_447 : i32
      %rem3A_452 = arith.remsi %min3A_422, %select_n3A_451 : i32
      %ne3A_453 = arith.constant 0 : i32
      %ne3A_454 = arith.cmpi ne, %rem3A_452, %ne3A_453 : i32
      %lt3A_455 = arith.constant 0 : i32
      %lt3A_456 = arith.cmpi slt, %rem3A_452, %lt3A_455 : i32
      %lt3A_457 = arith.constant 0 : i32
      %lt3A_458 = arith.cmpi slt, %select_n3A_451, %lt3A_457 : i32
      %ne3A_459 = arith.xori %lt3A_456, %lt3A_458 : i1
      %and3A_460 = arith.andi %ne3A_459, %ne3A_454 : i1
      %add3A_461 = arith.addi %rem3A_452, %select_n3A_451 : i32
      %select_n3A_462 = arith.select %and3A_460, %add3A_461, %rem3A_452 : i32
      %mul3A_463 = arith.constant 512 : i32
      %mul3A_464 = arith.muli %select_n3A_462, %mul3A_463 : i32
      %add3A_465 = arith.addi %mul3A_2, %mul3A_464 : i32
      %mul3A_466 = arith.constant 4 : i32
      %mul3A_467 = arith.muli %select_n3A_446, %mul3A_466 : i32
      %dma_start3A_468 = tpu.memref_slice %arg3[%mul3A_467, %add3A_465] : memref<200x16384xi32, #tpu.memory_space<hbm>> -> memref<4x512xi32, #tpu.memory_space<hbm>>
      %dma_start3A_469 = tpu.memref_slice %arg3[%mul3A_467, %add3A_465] : memref<200x16384xi32, #tpu.memory_space<hbm>> -> memref<4x512xi32, #tpu.memory_space<hbm>>
      tpu.enqueue_dma source(%dma_start3A_469 : memref<4x512xi32, #tpu.memory_space<hbm>>) target(%arg7 : memref<4x512xi32, #tpu.memory_space<vmem>>) target_semaphore(%arg11 : memref<!tpu.dma_semaphore, #tpu.memory_space<semaphore_mem>>)
    }
    %scan3A_126 = arith.constant 25 : i32
    %min3A_127 = arith.constant 48 : i32
    %min3A_128 = arith.constant 49 : i32
    %min3A_129 = arith.minsi %min3A_127, %min3A_128 : i32
    %jit3A_130 = arith.constant 1 : i32
    %div3A_131 = arith.divsi %min3A_129, %jit3A_130 : i32
    %sign3A_132 = arith.constant 0 : i32
    %sign3A_133 = arith.cmpi sgt, %min3A_129, %sign3A_132 : i32
    %sign3A_134 = arith.extui %sign3A_133 : i1 to i32
    %sign3A_135 = arith.constant 0 : i32
    %sign3A_136 = arith.cmpi slt, %min3A_129, %sign3A_135 : i32
    %sign3A_137 = arith.extui %sign3A_136 : i1 to i32
    %sign3A_138 = arith.subi %sign3A_134, %sign3A_137 : i32
    %sign3A_139 = arith.constant 0 : i32
    %sign3A_140 = arith.cmpi sgt, %jit3A_130, %sign3A_139 : i32
    %sign3A_141 = arith.extui %sign3A_140 : i1 to i32
    %sign3A_142 = arith.constant 0 : i32
    %sign3A_143 = arith.cmpi slt, %jit3A_130, %sign3A_142 : i32
    %sign3A_144 = arith.extui %sign3A_143 : i1 to i32
    %sign3A_145 = arith.subi %sign3A_141, %sign3A_144 : i32
    %ne3A_146 = arith.cmpi ne, %sign3A_138, %sign3A_145 : i32
    %rem3A_147 = arith.remsi %min3A_129, %jit3A_130 : i32
    %ne3A_148 = arith.constant 0 : i32
    %ne3A_149 = arith.cmpi ne, %rem3A_147, %ne3A_148 : i32
    %and3A_150 = arith.andi %ne3A_146, %ne3A_149 : i1
    %sub3A_151 = arith.constant 1 : i32
    %sub3A_152 = arith.subi %div3A_131, %sub3A_151 : i32
    %select_n3A_153 = arith.select %and3A_150, %sub3A_152, %div3A_131 : i32
    %jit3A_154 = arith.constant 1 : i32
    %eq3A_155 = arith.constant 0 : i32
    %eq3A_156 = arith.cmpi eq, %jit3A_154, %eq3A_155 : i32
    %jit3A_157 = arith.constant 1 : i32
    %select_n3A_158 = arith.select %eq3A_156, %jit3A_157, %jit3A_154 : i32
    %rem3A_159 = arith.remsi %min3A_129, %select_n3A_158 : i32
    %ne3A_160 = arith.constant 0 : i32
    %ne3A_161 = arith.cmpi ne, %rem3A_159, %ne3A_160 : i32
    %lt3A_162 = arith.constant 0 : i32
    %lt3A_163 = arith.cmpi slt, %rem3A_159, %lt3A_162 : i32
    %lt3A_164 = arith.constant 0 : i32
    %lt3A_165 = arith.cmpi slt, %select_n3A_158, %lt3A_164 : i32
    %ne3A_166 = arith.xori %lt3A_163, %lt3A_165 : i1
    %and3A_167 = arith.andi %ne3A_166, %ne3A_161 : i1
    %add3A_168 = arith.addi %rem3A_159, %select_n3A_158 : i32
    %select_n3A_169 = arith.select %and3A_167, %add3A_168, %rem3A_159 : i32
    %mul3A_170 = arith.constant 512 : i32
    %mul3A_171 = arith.muli %select_n3A_169, %mul3A_170 : i32
    %add3A_172 = arith.addi %mul3A_2, %mul3A_171 : i32
    %mul3A_173 = arith.constant 4 : i32
    %mul3A_174 = arith.muli %select_n3A_153, %mul3A_173 : i32
    %dma_wait3A = tpu.memref_slice %arg3[%mul3A_174, %add3A_172] : memref<200x16384xi32, #tpu.memory_space<hbm>> -> memref<4x512xi32, #tpu.memory_space<hbm>>
    %dma_wait3A_175 = tpu.memref_slice %arg3[%mul3A_174, %add3A_172] : memref<200x16384xi32, #tpu.memory_space<hbm>> -> memref<4x512xi32, #tpu.memory_space<hbm>>
    tpu.wait_dma2 semaphore(%arg10 : memref<!tpu.dma_semaphore, #tpu.memory_space<semaphore_mem>>) src(%dma_wait3A_175 : memref<4x512xi32, #tpu.memory_space<hbm>>) dst(%arg6 : memref<4x512xi32, #tpu.memory_space<vmem>>)
    %dma_wait3A_176 = arith.constant 0 : i32
    %dma_wait3A_177 = tpu.memref_slice %arg4[%mul3A_174, %dma_wait3A_176, %add3A_172] : memref<200x16x16384xf32, #tpu.memory_space<hbm>> -> memref<4x16x512xf32, #tpu.memory_space<hbm>>
    %dma_wait3A_178 = arith.constant 0 : i32
    %dma_wait3A_179 = tpu.memref_slice %arg4[%mul3A_174, %dma_wait3A_178, %add3A_172] : memref<200x16x16384xf32, #tpu.memory_space<hbm>> -> memref<4x16x512xf32, #tpu.memory_space<hbm>>
    tpu.wait_dma2 semaphore(%arg12 : memref<!tpu.dma_semaphore, #tpu.memory_space<semaphore_mem>>) src(%arg8 : memref<4x16x512xf32, #tpu.memory_space<vmem>>) dst(%dma_wait3A_179 : memref<4x16x512xf32, #tpu.memory_space<hbm>>)
    %min3A_180 = arith.constant 49 : i32
    %min3A_181 = arith.constant 49 : i32
    %min3A_182 = arith.minsi %min3A_180, %min3A_181 : i32
    %jit3A_183 = arith.constant 1 : i32
    %div3A_184 = arith.divsi %min3A_182, %jit3A_183 : i32
    %sign3A_185 = arith.constant 0 : i32
    %sign3A_186 = arith.cmpi sgt, %min3A_182, %sign3A_185 : i32
    %sign3A_187 = arith.extui %sign3A_186 : i1 to i32
    %sign3A_188 = arith.constant 0 : i32
    %sign3A_189 = arith.cmpi slt, %min3A_182, %sign3A_188 : i32
    %sign3A_190 = arith.extui %sign3A_189 : i1 to i32
    %sign3A_191 = arith.subi %sign3A_187, %sign3A_190 : i32
    %sign3A_192 = arith.constant 0 : i32
    %sign3A_193 = arith.cmpi sgt, %jit3A_183, %sign3A_192 : i32
    %sign3A_194 = arith.extui %sign3A_193 : i1 to i32
    %sign3A_195 = arith.constant 0 : i32
    %sign3A_196 = arith.cmpi slt, %jit3A_183, %sign3A_195 : i32
    %sign3A_197 = arith.extui %sign3A_196 : i1 to i32
    %sign3A_198 = arith.subi %sign3A_194, %sign3A_197 : i32
    %ne3A_199 = arith.cmpi ne, %sign3A_191, %sign3A_198 : i32
    %rem3A_200 = arith.remsi %min3A_182, %jit3A_183 : i32
    %ne3A_201 = arith.constant 0 : i32
    %ne3A_202 = arith.cmpi ne, %rem3A_200, %ne3A_201 : i32
    %and3A_203 = arith.andi %ne3A_199, %ne3A_202 : i1
    %sub3A_204 = arith.constant 1 : i32
    %sub3A_205 = arith.subi %div3A_184, %sub3A_204 : i32
    %select_n3A_206 = arith.select %and3A_203, %sub3A_205, %div3A_184 : i32
    %jit3A_207 = arith.constant 1 : i32
    %eq3A_208 = arith.constant 0 : i32
    %eq3A_209 = arith.cmpi eq, %jit3A_207, %eq3A_208 : i32
    %jit3A_210 = arith.constant 1 : i32
    %select_n3A_211 = arith.select %eq3A_209, %jit3A_210, %jit3A_207 : i32
    %rem3A_212 = arith.remsi %min3A_182, %select_n3A_211 : i32
    %ne3A_213 = arith.constant 0 : i32
    %ne3A_214 = arith.cmpi ne, %rem3A_212, %ne3A_213 : i32
    %lt3A_215 = arith.constant 0 : i32
    %lt3A_216 = arith.cmpi slt, %rem3A_212, %lt3A_215 : i32
    %lt3A_217 = arith.constant 0 : i32
    %lt3A_218 = arith.cmpi slt, %select_n3A_211, %lt3A_217 : i32
    %ne3A_219 = arith.xori %lt3A_216, %lt3A_218 : i1
    %and3A_220 = arith.andi %ne3A_219, %ne3A_214 : i1
    %add3A_221 = arith.addi %rem3A_212, %select_n3A_211 : i32
    %select_n3A_222 = arith.select %and3A_220, %add3A_221, %rem3A_212 : i32
    %mul3A_223 = arith.constant 512 : i32
    %mul3A_224 = arith.muli %select_n3A_222, %mul3A_223 : i32
    %add3A_225 = arith.addi %mul3A_2, %mul3A_224 : i32
    %mul3A_226 = arith.constant 4 : i32
    %mul3A_227 = arith.muli %select_n3A_206, %mul3A_226 : i32
    %dma_wait3A_228 = tpu.memref_slice %arg3[%mul3A_227, %add3A_225] : memref<200x16384xi32, #tpu.memory_space<hbm>> -> memref<4x512xi32, #tpu.memory_space<hbm>>
    %dma_wait3A_229 = tpu.memref_slice %arg3[%mul3A_227, %add3A_225] : memref<200x16384xi32, #tpu.memory_space<hbm>> -> memref<4x512xi32, #tpu.memory_space<hbm>>
    tpu.wait_dma2 semaphore(%arg11 : memref<!tpu.dma_semaphore, #tpu.memory_space<semaphore_mem>>) src(%dma_wait3A_229 : memref<4x512xi32, #tpu.memory_space<hbm>>) dst(%arg7 : memref<4x512xi32, #tpu.memory_space<vmem>>)
    %dma_wait3A_230 = arith.constant 0 : i32
    %dma_wait3A_231 = tpu.memref_slice %arg4[%mul3A_227, %dma_wait3A_230, %add3A_225] : memref<200x16x16384xf32, #tpu.memory_space<hbm>> -> memref<4x16x512xf32, #tpu.memory_space<hbm>>
    %dma_wait3A_232 = arith.constant 0 : i32
    %dma_wait3A_233 = tpu.memref_slice %arg4[%mul3A_227, %dma_wait3A_232, %add3A_225] : memref<200x16x16384xf32, #tpu.memory_space<hbm>> -> memref<4x16x512xf32, #tpu.memory_space<hbm>>
    tpu.wait_dma2 semaphore(%arg13 : memref<!tpu.dma_semaphore, #tpu.memory_space<semaphore_mem>>) src(%arg9 : memref<4x16x512xf32, #tpu.memory_space<vmem>>) dst(%dma_wait3A_233 : memref<4x16x512xf32, #tpu.memory_space<hbm>>)
    return
  }
}

</mosaic_0001>

<sc_bundles>
// kernel: kernel.3.cloned.1.call-start
scs
__scs_entry_jumppad:
0x0: {  	(pc) =	sbr.rel $0x88, $3  }
0x1: {  	(tag) =	ssettag $0x0;
	lr =	simm.s32 $0x1  }
0x2: {  	[smem:$0x3F9F] =	sst lr;
	_ =	strace $0xD0000000  }
0x3: {  	_ = 	snop  }
0x4: {  	_ = 	snop  }
0x5: {  	_ = 	snop  }
0x6: {  	_ = 	snop  }
0x7: {  	_ = 	snop  }
__scs_overlays_trampoline_lowered:
0x8: {  	[smem:$0x3FAE] =	sst s0  }
0x9: {  	[smem:$0x3FAF] =	sst s1  }
0xa: {  	[smem:$0x3FB0] =	sst s2  }
0xb: {  	[smem:$0x3FB1] =	sst s3  }
0xc: {  	[smem:$0x3FB2] =	sst s4  }
0xd: {  	[smem:$0x3FB3] =	sst s5  }
0xe: {  	[smem:$0x3FB4] =	sst s6  }
0xf: {  	[smem:$0x3FB5] =	sst s7  }
0x10: {  	[smem:$0x3FB6] =	sst s8  }
0x11: {  	[smem:$0x3FB7] =	sst s9;
	s0 =	simm.s32 @!p0 $0x0  }
0x12: {  	s1 =	sld [smem:$0x3F9D];
	s0 =	simm.s32 @p0 $0x1  }
0x13: {  	[smem:$0x3FB8] =	sst s0;
	s0 =	simm.s32 @!p1 $0x0  }
0x14: {  	s2 =	sld [smem:$0x3F9C];
	s0 =	simm.s32 @p1 $0x1  }
0x15: {  	[smem:$0x3FB9] =	sst s0;
	s0 =	simm.s32 @!p2 $0x0  }
0x16: {  	s3 =	sld [smem:$0x3FDB];
	s0 =	simm.s32 @p2 $0x1  }
0x17: {  	s4 =	simm.s32 $0x1BF5;
	[smem:$0x3FBB] =	sst s0  }
0x18: {  	s0 =	sld [smem:$0x3F9E];
	_ =	swait.ge [sflag:s4], $0x0  }
0x19: {  	s7 =	sld [smem:$0x3F9F]  }
0x1a: {  	s8 =	sadd.s32 $0xFFFFE003, lr  }
0x1b: {  	s9 =	sadd.s32 $0xFFFFFEF7, lr;
	s5 =	simm.s32 $0xFFFFFFFF;
	p2 =	slt.u32 s8, $0xFFFFF086  }
0x1c: {  	p1 =	slt.u32 s9, $0xF7A;
	s5 =	simm.s32 @!p2 $0x0  }
0x1d: {  	s5 =	simm.s32 @p1 $0x1;
	p0 =	seq.s32 s7, s2  }
0x1e: {  	s7 =	smul.u32 @!p0 $0xF7A, s2;
	p2 =	seq.s32 @!p0 s5, $0x0  }
0x1f: {  	s9 =	smul.u32 $0xF7A, s1;
	s8 =	simm.s32 @!p0 $0x1BF5;
	p2 =	por !p2, p0  }
0x20: {  	[sflag:s8] =	ssyncset.s32 @!p0 $0xFFFFF086;
	s6 =	sadd.s32 @!p0 s3, s7;
	s7 =	simm.s32 @!p0 $0x108  }
0x21: {  	s3 =	sadd.s32 s3, s9;
	s6 =	sadd.s32 @!p0 $0x88, s6;
	s7 =	simm.s32 @p2 $0x1082  }
0x22: {  	[simem:s7], [sflag:s8] =	dma.local @!p0 [hbm:s6], $0xF7A  }
0x23: {  	s9 =	sor.u32 $0xD0000000, s2;
	s6 =	simm.s32 $0x108;
	_ =	swait.ge @!p0 [sflag:s8], $0x0  }
0x24: {  	s3 =	sadd.s32 $0x88, s3;
	s6 =	simm.s32 @!p1 $0x1082;
	[sflag:s4] =	ssyncset.s32 $0xFFFFF086  }
0x25: {  	[simem:s6], [sflag:s4] =	dma.local [hbm:s3], $0xF7A  }
0x26: {  	[smem:$0x3F9F] =	sst s1;
	(tag) =	ssettag s2;
	_ =	strace s9  }
0x27: {  	s1 =	sld [smem:$0x3FAF]  }
0x28: {  	s2 =	sld [smem:$0x3FB0]  }
0x29: {  	s4 =	sld [smem:$0x3FB2]  }
0x2a: {  	p0 =	seq.s32 s5, $0x0;
	s5 =	sld [smem:$0x3FB3]  }
0x2b: {  	s6 =	sld [smem:$0x3FB4]  }
0x2c: {  	s7 =	sld [smem:$0x3FB5]  }
0x2d: {  	s3 =	simm.s32 $0x108;
	s8 =	sld [smem:$0x3FB6]  }
0x2e: {  	s3 =	simm.s32 @!p0 $0x1082;
	s9 =	sld [smem:$0x3FB7]  }
0x2f: {  	lr =	sadd.s32 s0, s3;
	s0 =	sld [smem:$0x3FAE]  }
0x30: {  	s3 =	sld [smem:$0x3FB1]  }
0x31: {  	[smem:$0x3FBA] =	sst s10  }
0x32: {  	s10 =	sld [smem:$0x3FB8];
	_ =	sdelay $0x3  }
0x33: {  	p0 =	seq.s32 s10, $0x1;
	s10 =	sld [smem:$0x3FBA];
	_ =	sdelay $0x3  }
0x34: {  	[smem:$0x3FBA] =	sst s10  }
0x35: {  	s10 =	sld [smem:$0x3FB9];
	_ =	sdelay $0x3  }
0x36: {  	p1 =	seq.s32 s10, $0x1;
	s10 =	sld [smem:$0x3FBA];
	_ =	sdelay $0x3  }
0x37: {  	[smem:$0x3FBA] =	sst s10  }
0x38: {  	s10 =	sld [smem:$0x3FBB]  }
0x39: {  	_ = 	snop;
	(pc) =	sbr.ind lr, $3  }
0x3a: {  	_ = 	snop  }
0x3b: {  	_ = 	snop  }
0x3c: {  	p2 =	seq.s32 s10, $0x1;
	s10 =	sld [smem:$0x3FBA]  }
0x3d: {  	_ =	shalt  }
0x3e: {  	_ =	shalt  }
0x3f: {  	_ =	shalt  }
0x40: {  	_ =	shalt  }
0x41: {  	_ =	shalt  }
0x42: {  	_ =	shalt  }
0x43: {  	_ =	shalt  }
0x44: {  	_ =	shalt  }
0x45: {  	_ =	shalt  }
0x46: {  	_ =	shalt  }
0x47: {  	_ =	shalt  }
0x48: {  	_ =	shalt  }
0x49: {  	_ =	shalt  }
0x4a: {  	_ =	shalt  }
0x4b: {  	_ =	shalt  }
0x4c: {  	_ =	shalt  }
0x4d: {  	_ =	shalt  }
0x4e: {  	_ =	shalt  }
0x4f: {  	_ =	shalt  }
0x50: {  	_ =	shalt  }
0x51: {  	_ =	shalt  }
0x52: {  	_ =	shalt  }
0x53: {  	_ =	shalt  }
0x54: {  	_ =	shalt  }
0x55: {  	_ =	shalt  }
0x56: {  	_ =	shalt  }
0x57: {  	_ =	shalt  }
0x58: {  	_ =	shalt  }
0x59: {  	_ =	shalt  }
0x5a: {  	_ =	shalt  }
0x5b: {  	_ =	shalt  }
0x5c: {  	_ =	shalt  }
0x5d: {  	_ =	shalt  }
0x5e: {  	_ =	shalt  }
0x5f: {  	_ =	shalt  }
0x60: {  	_ =	shalt  }
0x61: {  	_ =	shalt  }
0x62: {  	_ =	shalt  }
0x63: {  	_ =	shalt  }
0x64: {  	_ =	shalt  }
0x65: {  	_ =	shalt  }
0x66: {  	_ =	shalt  }
0x67: {  	_ =	shalt  }
0x68: {  	_ =	shalt  }
0x69: {  	_ =	shalt  }
0x6a: {  	_ =	shalt  }
0x6b: {  	_ =	shalt  }
0x6c: {  	_ =	shalt  }
0x6d: {  	_ =	shalt  }
0x6e: {  	_ =	shalt  }
0x6f: {  	_ =	shalt  }
0x70: {  	_ =	shalt  }
0x71: {  	_ =	shalt  }
0x72: {  	_ =	shalt  }
0x73: {  	_ =	shalt  }
0x74: {  	_ =	shalt  }
0x75: {  	_ =	shalt  }
0x76: {  	_ =	shalt  }
0x77: {  	_ =	shalt  }
0x78: {  	_ =	shalt  }
0x79: {  	_ =	shalt  }
0x7a: {  	_ =	shalt  }
0x7b: {  	_ =	shalt  }
0x7c: {  	_ =	shalt  }
0x7d: {  	_ =	shalt  }
0x7e: {  	_ =	shalt  }
0x7f: {  	_ =	shalt  }
0x80: {  	_ =	shalt  }
0x81: {  	_ =	shalt  }
0x82: {  	_ =	shalt  }
0x83: {  	_ =	shalt  }
0x84: {  	_ =	shalt  }
0x85: {  	_ =	shalt  }
0x86: {  	_ =	shalt  }
0x87: {  	_ =	shalt  }
.Lfunc_end0:
.L_simem_size_0:
called_computation_lowered:
.L_overlay_start_0:
0x88: {  	s2 =	sld [smem:$0x3FD9]  }
0x89: {  	s3 =	sld [smem:$0x3FFE];
	_ =	sdelay $0x1  }
0x8a: {  	s1 =	srdreg.scid  }
0x8b: {  	s0 =	sand.u32 $0x1, s1  }
0x8c: {  	s17 =	sshll.u32 s0, $0xA;
	s2 =	sadd.s32 s3, s2  }
0x8d: {  	s2 =	sadd.s32 s2, s17  }
0x8e: {  	[smem:$0x3FC6] =	sst s2  }
0x8f: {  	_ = 	snop  }
0x90: {  	s2 =	sld [smem:$0x3FC9]  }
0x91: {  	s18 =	sld [smem:$0x3FD0];
	(tm) =	ssettm $0x1  }
0x92: {  	s4 =	sld [smem:$0x3FFB];
	_ =	sdelay $0x3  }
0x93: {  	_ =	strace s4  }
0x94: {  	s4 =	sld [smem:$0x3FFC];
	_ =	sdelay $0x3  }
0x95: {  	_ =	strace s4  }
0x96: {  	s4 =	sld [smem:$0x3FFD];
	_ =	sdelay $0x3  }
0x97: {  	_ =	strace s4  }
0x98: {  	_ =	strace $0x8FFFFFFF  }
0x99: {  	s19 =	sld [smem:$0x3FDB];
	_ =	sdelay $0x1  }
0x9a: {  	s5 =	simm.s32 $_scs_section_size  }
0x9b: {  	s6 =	simm.s32 $_size__tile_overlayer_lowered;
	s7 =	simm.s32 $_tile_overlayer_lowered  }
0x9c: {  	s22 =	simm.s32 $0x1BFF;
	s21 =	sshll.u32 s7, $0x1;
	s4 =	sadd.s32 s5, s19  }
0x9d: {  	s8 =	simm.s32 $0x0;
	s20 =	sshll.u32 s6, $0x1;
	s6 =	sadd.s32 s21, s4  }
0x9e: {  	[timem:s8], [sflag:s22] =	dma.local [hbm:s6], s20  }
0x9f: {  	_ =	swait.ge [sflag:s22], s20  }
0xa0: {  	s5 =	ssub.s32 $0x0, s20;
	[sflag:s22] =	ssyncset.done $0x0  }
0xa1: {  	[sflag:s22] =	ssyncadd.s32 s5;
	_ =	sdelay $0x1  }
0xa2: {  	s23 =	simm.s32 $0x1B8B  }
0xa3: {  	_ =	swait.ge [sflag:s23], $0x1  }
0xa4: {  	[sflag:s23] =	ssyncset.done $0x0  }
0xa5: {  	s25 =	simm.s32 $0x1B8E;
	s24 =	sld [smem:$0x3FFE];
	[sflag:s23] =	ssyncadd.s32 $0xFFFFFFFF  }
0xa6: {  	s26 =	simm.s32 $execute0_lowered;
	[smem:$0x3FD2] =	sst s25  }
0xa7: {  	s6 =	sshll.u32 s26, $0x1;
	_ =	strace $0x80000046;
	[dreg:$0x1] =	wrdreg $0xFFFFFFFF  }
0xa8: {  	s28 =	simm.s32 $_size_execute0_lowered;
	s4 =	sadd.s32 s4, s6;
	[dreg:$0x0] =	wrdreg $0x0  }
0xa9: {  	s6 =	sshll.u32 s28, $0x1;
	[dreg:$0x2] =	wrdreg s4  }
0xaa: {  	[dreg:$0x3] =	wrdreg s6  }
0xab: {  	[dreg:$0x4] =	wrdreg $0xC0  }
0xac: {  	_ =	task [dreg:s8], $0x5FFFF  }
0xad: {  	[dreg:$0x1] =	wrdreg $0xFFFFFFFF  }
0xae: {  	[dreg:$0x0] =	wrdreg $0x60  }
0xaf: {  	[dreg:$0x2] =	wrdreg s24  }
0xb0: {  	[dreg:$0x3] =	wrdreg s2  }
0xb1: {  	[dreg:$0x4] =	wrdreg s18  }
0xb2: {  	[dreg:$0x5] =	wrdreg $0x9  }
0xb3: {  	_ =	task.clear_ibuf [dreg:s8], $0x6FFFF;
	_ =	strace $0x90000046  }
0xb4: {  	s29 =	simm.s32 $0x9;
	_ =	strace $0x80000048  }
0xb5: {  	_ =	swait.ge [sflag:s29], $0x1  }
0xb6: {  	[sflag:s29] =	ssyncadd.s32 $0xFFFFFFFF  }
0xb7: {  	_ =	strace $0x90000048  }
0xb8: {  	_ =	sfence  }
0xb9: {  	s30 =	sld [smem:$0x0];
	_ =	sdelay $0x2  }
0xba: {  	s31 =	sshll.u32 s1, $0xD;
	s1 =	sshrl.u32 s1, $0x2  }
0xbb: {  	s3 =	sand.u32 $0x4000, s31;
	s1 =	sadd.s32 s1, s30  }
0xbc: {  	s0 =	sor.u32 s3, s0;
	s1 =	sshll.u32 s1, $0x11  }
0xbd: {  	s0 =	sor.u32 s1, s0  }
0xbe: {  	s0 =	sadd.s32 $0x8F2B, s0  }
0xbf: {  	[sflag:s0] =	ssyncadd.remote.s32 $0x1  }
0xc0: {  	_ =	sfence.sel $0xFFFF  }
0xc1: {  	[dreg:$0x0] =	wrdreg $0xFFFFFFFF;
	(pc) =	sbr.abs _section_cstart, $3  }
0xc2: {  	[dreg:$0x1] =	wrdreg $0xFFFFFFFF  }
0xc3: {  	_ =	task.clear_ibuf [dreg:s8], $0x2FFFF;
	_ =	strace $0x9FFFFFFF  }
0xc4: {  	(tm) =	ssettm $0x7FFFFFFF  }
0xc5: {  	_ =	shalt  }
tec
execute0_lowered:
.L_overlay_start_1:
0x0: {  	(tag) =	ssettag $0x1  }
0x1: {  	s0 =	rddreg [dreg:$0x0]  }
0x2: {  	s1 =	rddreg [dreg:$0x1]  }
0x3: {  	s2 =	rddreg [dreg:$0x2];
	s3 =	simm.s32 $0x0  }
0x4: {  	s29 =	srdreg.scid;
	s5 =	stileid.u32;
	s13 =	simm.s32 $0x200  }
0x5: {  	s14 =	simm.s32 $0x400;
	s15 =	simm.s32 $0x100;
	s16 =	simm.s32 $0x900  }
0x6: {  	s17 =	simm.s32 $0x1;
	s18 =	simm.s32 $0x1000;
	s19 =	simm.s32 $0x20000  }
0x7: {  	s20 =	simm.s32 $0x1100;
	[smem:$0x7FF] =	sst s3;
	s3 =	sand.u32 $0x1, s29  }
0x8: {  	s5 =	sshll.u32 s5, $0xD;
	s4 =	ssub.s32 $0x2, s3;
	s3 =	sshll.u32 s3, $0xC  }
0x9: {  	s21 =	simm.s32 $0x2;
	s0 =	sadd.s32 $0x400, s0;
	s6 =	sor.u32 s3, s5  }
0xa: {  	s7 =	sadd.s32 $0x40, s1;
	_ =	strace $0x80000047;
	s3 =	sshrl.u32 s6, $0x3  }
0xb: {  	[dreg:$0x4] =	wrdreg s0;
	s30 =	sshrl.u32 s4, $0x1;
	s31 =	sadd.s32 s1, s3  }
0xc: {  	s0 =	ssub.s32 s4, s30;
	s3 =	sadd.s32 s3, s7;
	[dreg:$0x5] =	wrdreg s31  }
0xd: {  	s22 =	simm.s32 $0x9100;
	s0 =	smax.u32 s0, $0x1;
	[dreg:$0x6] =	wrdreg s3  }
0xe: {  	s25 =	simm.s32 $0x0;
	s10 =	sor.u32 $0x20000, s6;
	[dreg:$0x7] =	wrdreg s0  }
.LBB2_1:
0xf: {  	s0 =	simm.s32 $0x0;
	s3 =	rddreg [dreg:$0x4];
	s29 =	simm.s32 $0x5  }
0x10: {  	[tilespmem:s0], [sflag:$0x5] =	stream.linear.gather [hbm4b:s3+s0], $0x100, $0x38;
	[tilespmem:$0x11100] =	vst v63  }
0x11: {  	_ =	swait.ge [sflag:s29], $0x100  }
0x12: {  	[sflag:s29] =	ssyncset.done $0x0  }
0x13: {  	[sflag:s29] =	ssyncadd.s32 $0xFFFFFF00  }
0x14: {  	v0 =	vld [tilespmem:$0x0]  }
0x15: {  	v1 =	vld [tilespmem:$0x10]  }
0x16: {  	v2 =	vld [tilespmem:$0x20]  }
0x17: {  	v3 =	vld [tilespmem:$0x30]  }
0x18: {  	v4 =	vld [tilespmem:$0x40]  }
0x19: {  	v5 =	vld [tilespmem:$0x50]  }
0x1a: {  	v6 =	vld [tilespmem:$0x60]  }
0x1b: {  	v7 =	vld [tilespmem:$0x70]  }
0x1c: {  	v8 =	vld [tilespmem:$0x80]  }
0x1d: {  	v9 =	vld [tilespmem:$0x90]  }
0x1e: {  	v10 =	vld [tilespmem:$0xA0]  }
0x1f: {  	v11 =	vld [tilespmem:$0xB0]  }
0x20: {  	v12 =	vld [tilespmem:$0xC0]  }
0x21: {  	v13 =	vld [tilespmem:$0xD0]  }
0x22: {  	s30 =	rddreg [dreg:$0x5];
	v14 =	vld [tilespmem:$0xE0]  }
0x23: {  	v15 =	vld [tilespmem:$0xF0];
	[tilespmem:s15], [sflag:$0x1] =	stream.strided.gather [hbm4b:s30+s13], $0x800, s14, s13, $0x38  }
0x24: {  	s26 =	simm.s32 $0x0;
	s31 =	rddreg [dreg:$0x6]  }
0x25: {  	[tilespmem:s16], [sflag:$0x2] =	stream.strided.gather [hbm4b:s31+s13], $0x800, s14, s13, $0x38;
	[tilespmem:$0x11100] =	vst v63  }
.LBB2_2:
0x26: {  	_ =	swait.ge [sflag:s17], $0x800  }
0x27: {  	p0 =	seq.s32 s26, $0x0;
	[sflag:s17] =	ssyncset.done $0x0  }
0x28: {  	s0 =	simm.s32 @!p0 $0x3;
	[sflag:s17] =	ssyncadd.s32 $0xFFFFF800  }
0x29: {  	_ =	swait.ge @!p0 [sflag:s0], $0x8000  }
0x2a: {  	s28 =	sshll.u32 s26, $0x1;
	[sflag:s0] =	ssyncset.done @!p0 $0x0  }
0x2b: {  	s29 =	simm.s32 $0x0;
	s30 =	simm.s32 $0x0;
	[sflag:s0] =	ssyncadd.s32 @!p0 $0xFFFF8000  }
.LBB2_3:
0x2c: {  	s0 =	sshll.u32 s30, $0x7  }
0x2d: {  	s3 =	simm.s32 $0x0;
	s0 =	sand.u32 $0x3FFFFF80, s0  }
0x2e: {  	s11 =	sand.u32 $0x3FFFFE00, s3;
	s31 =	sadd.s32 $0x100, s0  }
0x2f: {  	s12 =	sand.u32 $0x60, s29;
	s4 =	sadd.s32 s11, s31  }
0x30: {  	s0 =	sadd.s32 s12, s4  }
0x31: {  	v16 =	vld [tilespmem:s0+$0x0]  }
0x32: {  	s23 =	sshll.u32 s30, $0xF  }
0x33: {  	s5 =	simm.s32 $0x0;
	s0 =	sshra.s32 s23, $0x2  }
0x34: {  	s5 =	sand.u32 $0x3FFFFC00, s5;
	s0 =	sor.u32 $0x1100, s0  }
0x35: {  	s5 =	sadd.s32 s5, s0  }
0x36: {  	s8 =	sadd.s32 $0x1000, s5;
	v17 =	vperm.xlane v12, v16  }
0x37: {  	s9 =	sadd.s32 s12, s8;
	v18 =	vperm.xlane v0, v16  }
0x38: {  	s11 =	sadd.s32 s12, s5;
	v19 =	vperm.xlane v9, v16;
	[tilespmem:s9+$0x200] =	vst v17  }
0x39: {  	[tilespmem:s11+$0x0] =	vst v18;
	v17 =	vperm.xlane v13, v16  }
0x3a: {  	v18 =	vperm.xlane v3, v16;
	[tilespmem:s9+$0x80] =	vst v19  }
0x3b: {  	v19 =	vperm.xlane v2, v16;
	[tilespmem:s9+$0x280] =	vst v17  }
0x3c: {  	[tilespmem:s11+$0x180] =	vst v18;
	v17 =	vperm.xlane v10, v16  }
0x3d: {  	[tilespmem:s11+$0x100] =	vst v19;
	v18 =	vperm.xlane v14, v16  }
0x3e: {  	v19 =	vperm.xlane v7, v16;
	[tilespmem:s9+$0x100] =	vst v17  }
0x3f: {  	v17 =	vperm.xlane v5, v16;
	[tilespmem:s9+$0x300] =	vst v18  }
0x40: {  	v18 =	vperm.xlane v8, v16;
	[tilespmem:s11+$0x380] =	vst v19  }
0x41: {  	v19 =	vperm.xlane v4, v16;
	[tilespmem:s11+$0x280] =	vst v17  }
0x42: {  	v17 =	vperm.xlane v6, v16;
	[tilespmem:s9+$0x0] =	vst v18  }
0x43: {  	v18 =	vperm.xlane v1, v16;
	[tilespmem:s11+$0x200] =	vst v19  }
0x44: {  	v19 =	vperm.xlane v11, v16;
	[tilespmem:s11+$0x300] =	vst v17  }
0x45: {  	v16 =	vperm.xlane v15, v16;
	[tilespmem:s11+$0x80] =	vst v18  }
0x46: {  	s3 =	sor.u32 $0x10, s12;
	[tilespmem:s9+$0x180] =	vst v19  }
0x47: {  	s4 =	sadd.s32 s3, s4;
	[tilespmem:s9+$0x380] =	vst v16  }
0x48: {  	v18 =	vld [tilespmem:s4+$0x0];
	_ =	sdelay $0x4  }
0x49: {  	v16 =	vperm.xlane v0, v18  }
0x4a: {  	s24 =	sadd.s32 s3, s5;
	v17 =	vperm.xlane v2, v18  }
0x4b: {  	v19 =	vperm.xlane v3, v18;
	[tilespmem:s24+$0x0] =	vst v16  }
0x4c: {  	v20 =	vperm.xlane v8, v18;
	[tilespmem:s24+$0x100] =	vst v17  }
0x4d: {  	s8 =	sadd.s32 s3, s8;
	v21 =	vperm.xlane v13, v18;
	[tilespmem:s24+$0x180] =	vst v19  }
0x4e: {  	v16 =	vperm.xlane v1, v18;
	[tilespmem:s8+$0x0] =	vst v20  }
0x4f: {  	v17 =	vperm.xlane v5, v18;
	[tilespmem:s8+$0x280] =	vst v21  }
0x50: {  	v19 =	vperm.xlane v6, v18;
	[tilespmem:s24+$0x80] =	vst v16  }
0x51: {  	v16 =	vperm.xlane v7, v18;
	[tilespmem:s24+$0x280] =	vst v17  }
0x52: {  	[tilespmem:s24+$0x300] =	vst v19;
	v19 =	vperm.xlane v12, v18  }
0x53: {  	v20 =	vperm.xlane v14, v18;
	v17 =	vperm.xlane v4, v18;
	[tilespmem:s24+$0x380] =	vst v16  }
0x54: {  	v16 =	vperm.xlane v9, v18;
	[tilespmem:s8+$0x200] =	vst v19;
	v19 =	vperm.xlane v10, v18  }
0x55: {  	s3 =	simm.s32 $0x0;
	s4 =	simm.s32 $0x0;
	[tilespmem:s24+$0x200] =	vst v17;
	v17 =	vperm.xlane v11, v18;
	v18 =	vperm.xlane v15, v18  }
.LBB2_4:
0x56: {  	s3 =	sadd.s32 $0x2, s3;
	[tilespmem:s8+$0x300] =	vst v20;
	s4 =	sadd.s32 $0x20, s4  }
0x57: {  	s5 =	sshll.u32 s3, $0x6;
	s9 =	sshll.u32 s3, $0x7;
	p1 =	slt.u32 s3, $0x1E;
	[tilespmem:s8+$0x100] =	vst v19  }
0x58: {  	s5 =	sand.u32 $0x3FFFFE00, s5;
	s9 =	sand.u32 $0x3FFFFC00, s9;
	[tilespmem:s8+$0x80] =	vst v16  }
0x59: {  	s11 =	sand.u32 $0x60, s4;
	s12 =	sadd.s32 s5, s31;
	s9 =	sadd.s32 s9, s0;
	[tilespmem:s8+$0x180] =	vst v17  }
0x5a: {  	s23 =	sadd.s32 s11, s12;
	s5 =	sadd.s32 $0x1000, s9;
	[tilespmem:s8+$0x380] =	vst v18  }
0x5b: {  	v16 =	vld [tilespmem:s23+$0x0];
	s8 =	sadd.s32 s11, s5;
	_ =	sdelay $0x4  }
0x5c: {  	v17 =	vperm.xlane v0, v16;
	v18 =	vperm.xlane v12, v16  }
0x5d: {  	v19 =	vperm.xlane v2, v16;
	v20 =	vperm.xlane v9, v16  }
0x5e: {  	s23 =	sadd.s32 s11, s9;
	v21 =	vperm.xlane v3, v16;
	[tilespmem:s8+$0x200] =	vst v18;
	v18 =	vperm.xlane v15, v16  }
0x5f: {  	v22 =	vperm.xlane v13, v16;
	[tilespmem:s23+$0x0] =	vst v17;
	v17 =	vperm.xlane v11, v16  }
0x60: {  	v23 =	vperm.xlane v4, v16;
	v24 =	vperm.xlane v6, v16;
	[tilespmem:s8+$0x80] =	vst v20  }
0x61: {  	v25 =	vperm.xlane v8, v16;
	v20 =	vperm.xlane v1, v16;
	[tilespmem:s8+$0x280] =	vst v22  }
0x62: {  	v22 =	vperm.xlane v10, v16;
	[tilespmem:s23+$0x180] =	vst v21;
	v21 =	vperm.xlane v5, v16  }
0x63: {  	[tilespmem:s23+$0x100] =	vst v19;
	v19 =	vperm.xlane v7, v16;
	v16 =	vperm.xlane v14, v16  }
0x64: {  	[tilespmem:s8+$0x100] =	vst v22  }
0x65: {  	[tilespmem:s8+$0x300] =	vst v16  }
0x66: {  	s11 =	sor.u32 $0x10, s11;
	[tilespmem:s23+$0x380] =	vst v19  }
0x67: {  	s12 =	sadd.s32 s11, s12;
	s9 =	sadd.s32 s11, s9;
	[tilespmem:s23+$0x280] =	vst v21  }
0x68: {  	[tilespmem:s8+$0x0] =	vst v25  }
0x69: {  	[tilespmem:s23+$0x200] =	vst v23  }
0x6a: {  	[tilespmem:s23+$0x300] =	vst v24  }
0x6b: {  	[tilespmem:s23+$0x80] =	vst v20  }
0x6c: {  	[tilespmem:s8+$0x180] =	vst v17  }
0x6d: {  	[tilespmem:s8+$0x380] =	vst v18  }
0x6e: {  	v18 =	vld [tilespmem:s12+$0x0];
	_ =	sdelay $0x4  }
0x6f: {  	v16 =	vperm.xlane v0, v18;
	v17 =	vperm.xlane v1, v18  }
0x70: {  	v19 =	vperm.xlane v2, v18;
	v20 =	vperm.xlane v3, v18  }
0x71: {  	v21 =	vperm.xlane v4, v18;
	v22 =	vperm.xlane v5, v18;
	[tilespmem:s9+$0x0] =	vst v16  }
0x72: {  	v23 =	vperm.xlane v6, v18;
	v24 =	vperm.xlane v7, v18;
	[tilespmem:s9+$0x100] =	vst v19  }
0x73: {  	v25 =	vperm.xlane v8, v18;
	v16 =	vperm.xlane v9, v18;
	[tilespmem:s9+$0x180] =	vst v20  }
0x74: {  	v19 =	vperm.xlane v10, v18;
	[tilespmem:s9+$0x80] =	vst v17;
	v17 =	vperm.xlane v11, v18  }
0x75: {  	v26 =	vperm.xlane v13, v18;
	[tilespmem:s9+$0x280] =	vst v22;
	v22 =	vperm.xlane v12, v18  }
0x76: {  	v20 =	vperm.xlane v14, v18;
	v18 =	vperm.xlane v15, v18;
	[tilespmem:s9+$0x300] =	vst v23  }
.Ltmp0:
0x77: {  	[tilespmem:s9+$0x380] =	vst v24;
	(pc) =	sbr.rel @p1 .LBB2_4-.Ltmp0, $4  }
0x78: {  	s8 =	sadd.s32 s11, s5;
	[tilespmem:s9+$0x200] =	vst v21  }
0x79: {  	[tilespmem:s8+$0x200] =	vst v22  }
0x7a: {  	[tilespmem:s8+$0x0] =	vst v25  }
0x7b: {  	[tilespmem:s8+$0x280] =	vst v26  }
0x7c: {  	s30 =	sadd.s32 $0x1, s30  }
0x7d: {  	p1 =	sne.s32 s30, $0x4  }
.Ltmp1:
0x7e: {  	[tilespmem:s8+$0x300] =	vst v20;
	(pc) =	sbr.rel @p1 .LBB2_3-.Ltmp1, $4  }
0x7f: {  	[tilespmem:s8+$0x100] =	vst v19  }
0x80: {  	[tilespmem:s8+$0x80] =	vst v16  }
0x81: {  	[tilespmem:s8+$0x180] =	vst v17  }
0x82: {  	[tilespmem:s8+$0x380] =	vst v18  }
0x83: {  	s0 =	sshll.u32 s26, $0x15  }
0x84: {  	s0 =	sor.u32 s6, s0  }
0x85: {  	s29 =	sshrl.u32 s0, $0x3  }
0x86: {  	s24 =	smin.u32 s28, $0x2F;
	s0 =	sadd.s32 s2, s29  }
0x87: {  	[hbm4b:s0+s18] =	stream.strided.scatter [tilespmem:s20], [sflag:$0x3], $0x8000, s19, s18, $0x38;
	[tilespmem:$0x11100] =	vst v63  }
0x88: {  	s0 =	sadd.s32 $0x2, s24  }
0x89: {  	s3 =	sshll.u32 s0, $0x9;
	s0 =	sshll.u32 s0, $0x10  }
0x8a: {  	s0 =	sor.u32 s0, s3  }
0x8b: {  	s0 =	sand.u32 $0x7E0200, s0  }
0x8c: {  	s0 =	sor.u32 s6, s0  }
0x8d: {  	s0 =	sshrl.u32 s0, $0x3  }
0x8e: {  	s0 =	sadd.s32 s1, s0  }
0x8f: {  	[tilespmem:s15], [sflag:$0x1] =	stream.strided.gather [hbm4b:s0+s13], $0x800, s14, s13, $0x38;
	[tilespmem:$0x11100] =	vst v63  }
0x90: {  	_ =	swait.ge [sflag:s21], $0x800  }
0x91: {  	[sflag:s21] =	ssyncset.done $0x0  }
0x92: {  	s0 =	simm.s32 @!p0 $0x4;
	[sflag:s21] =	ssyncadd.s32 $0xFFFFF800  }
0x93: {  	_ =	swait.ge @!p0 [sflag:s0], $0x8000  }
0x94: {  	[sflag:s0] =	ssyncset.done @!p0 $0x0  }
0x95: {  	s30 =	simm.s32 $0x0;
	s31 =	simm.s32 $0x0;
	[sflag:s0] =	ssyncadd.s32 @!p0 $0xFFFF8000  }
.LBB2_7:
0x96: {  	s0 =	sshll.u32 s31, $0x7  }
0x97: {  	s3 =	simm.s32 $0x0;
	s0 =	sand.u32 $0x3FFFFF80, s0  }
0x98: {  	s3 =	sand.u32 $0x3FFFFE00, s3;
	s0 =	sadd.s32 $0x900, s0  }
0x99: {  	s4 =	sand.u32 $0x60, s30;
	s5 =	sadd.s32 s3, s0  }
0x9a: {  	s3 =	sadd.s32 s4, s5  }
0x9b: {  	v16 =	vld [tilespmem:s3+$0x0]  }
0x9c: {  	s23 =	sshll.u32 s31, $0xF  }
0x9d: {  	s8 =	simm.s32 $0x0;
	s3 =	sshra.s32 s23, $0x2  }
0x9e: {  	s8 =	sand.u32 $0x3FFFFC00, s8;
	s3 =	sadd.s32 $0x9100, s3  }
0x9f: {  	s8 =	sadd.s32 s8, s3  }
0xa0: {  	s9 =	sadd.s32 $0x1000, s8;
	v17 =	vperm.xlane v12, v16  }
0xa1: {  	s11 =	sadd.s32 s4, s9;
	v18 =	vperm.xlane v0, v16  }
0xa2: {  	s12 =	sadd.s32 s4, s8;
	v19 =	vperm.xlane v9, v16;
	[tilespmem:s11+$0x200] =	vst v17  }
0xa3: {  	[tilespmem:s12+$0x0] =	vst v18;
	v17 =	vperm.xlane v13, v16  }
0xa4: {  	v18 =	vperm.xlane v3, v16;
	[tilespmem:s11+$0x80] =	vst v19  }
0xa5: {  	v19 =	vperm.xlane v2, v16;
	[tilespmem:s11+$0x280] =	vst v17  }
0xa6: {  	[tilespmem:s12+$0x180] =	vst v18;
	v17 =	vperm.xlane v10, v16  }
0xa7: {  	[tilespmem:s12+$0x100] =	vst v19;
	v18 =	vperm.xlane v14, v16  }
0xa8: {  	v19 =	vperm.xlane v7, v16;
	[tilespmem:s11+$0x100] =	vst v17  }
0xa9: {  	v17 =	vperm.xlane v5, v16;
	[tilespmem:s11+$0x300] =	vst v18  }
0xaa: {  	v18 =	vperm.xlane v8, v16;
	[tilespmem:s12+$0x380] =	vst v19  }
0xab: {  	v19 =	vperm.xlane v4, v16;
	[tilespmem:s12+$0x280] =	vst v17  }
0xac: {  	v17 =	vperm.xlane v6, v16;
	[tilespmem:s11+$0x0] =	vst v18  }
0xad: {  	v18 =	vperm.xlane v1, v16;
	[tilespmem:s12+$0x200] =	vst v19  }
0xae: {  	v19 =	vperm.xlane v11, v16;
	[tilespmem:s12+$0x300] =	vst v17  }
0xaf: {  	v16 =	vperm.xlane v15, v16;
	[tilespmem:s12+$0x80] =	vst v18  }
0xb0: {  	s4 =	sor.u32 $0x10, s4;
	[tilespmem:s11+$0x180] =	vst v19  }
0xb1: {  	s5 =	sadd.s32 s4, s5;
	[tilespmem:s11+$0x380] =	vst v16  }
0xb2: {  	v18 =	vld [tilespmem:s5+$0x0];
	_ =	sdelay $0x4  }
0xb3: {  	v16 =	vperm.xlane v0, v18  }
0xb4: {  	s24 =	sadd.s32 s4, s8;
	v17 =	vperm.xlane v2, v18  }
0xb5: {  	v19 =	vperm.xlane v3, v18;
	[tilespmem:s24+$0x0] =	vst v16  }
0xb6: {  	v20 =	vperm.xlane v8, v18;
	[tilespmem:s24+$0x100] =	vst v17  }
0xb7: {  	s9 =	sadd.s32 s4, s9;
	v21 =	vperm.xlane v13, v18;
	[tilespmem:s24+$0x180] =	vst v19  }
0xb8: {  	v16 =	vperm.xlane v1, v18;
	[tilespmem:s9+$0x0] =	vst v20  }
0xb9: {  	v17 =	vperm.xlane v5, v18;
	[tilespmem:s9+$0x280] =	vst v21  }
0xba: {  	v19 =	vperm.xlane v6, v18;
	[tilespmem:s24+$0x80] =	vst v16  }
0xbb: {  	v16 =	vperm.xlane v7, v18;
	[tilespmem:s24+$0x280] =	vst v17  }
0xbc: {  	[tilespmem:s24+$0x300] =	vst v19;
	v19 =	vperm.xlane v12, v18  }
0xbd: {  	v20 =	vperm.xlane v14, v18;
	v17 =	vperm.xlane v4, v18;
	[tilespmem:s24+$0x380] =	vst v16  }
0xbe: {  	v16 =	vperm.xlane v9, v18;
	[tilespmem:s9+$0x200] =	vst v19;
	v19 =	vperm.xlane v10, v18  }
0xbf: {  	s4 =	simm.s32 $0x0;
	s5 =	simm.s32 $0x0;
	[tilespmem:s24+$0x200] =	vst v17;
	v17 =	vperm.xlane v11, v18;
	v18 =	vperm.xlane v15, v18  }
.LBB2_8:
0xc0: {  	s4 =	sadd.s32 $0x2, s4;
	[tilespmem:s9+$0x300] =	vst v20;
	s5 =	sadd.s32 $0x20, s5  }
0xc1: {  	s8 =	sshll.u32 s4, $0x6;
	s11 =	sshll.u32 s4, $0x7;
	p0 =	slt.u32 s4, $0x1E;
	[tilespmem:s9+$0x100] =	vst v19  }
0xc2: {  	s8 =	sand.u32 $0x3FFFFE00, s8;
	s11 =	sand.u32 $0x3FFFFC00, s11;
	[tilespmem:s9+$0x80] =	vst v16  }
0xc3: {  	s12 =	sand.u32 $0x60, s5;
	s23 =	sadd.s32 s8, s0;
	s11 =	sadd.s32 s11, s3;
	[tilespmem:s9+$0x180] =	vst v17  }
0xc4: {  	s24 =	sadd.s32 s12, s23;
	s8 =	sadd.s32 $0x1000, s11;
	[tilespmem:s9+$0x380] =	vst v18  }
0xc5: {  	v16 =	vld [tilespmem:s24+$0x0];
	s9 =	sadd.s32 s12, s8;
	_ =	sdelay $0x4  }
0xc6: {  	v17 =	vperm.xlane v0, v16;
	v18 =	vperm.xlane v12, v16  }
0xc7: {  	v19 =	vperm.xlane v2, v16;
	v20 =	vperm.xlane v9, v16  }
0xc8: {  	s24 =	sadd.s32 s12, s11;
	v21 =	vperm.xlane v3, v16;
	[tilespmem:s9+$0x200] =	vst v18;
	v18 =	vperm.xlane v15, v16  }
0xc9: {  	v22 =	vperm.xlane v13, v16;
	[tilespmem:s24+$0x0] =	vst v17;
	v17 =	vperm.xlane v11, v16  }
0xca: {  	v23 =	vperm.xlane v4, v16;
	v24 =	vperm.xlane v6, v16;
	[tilespmem:s9+$0x80] =	vst v20  }
0xcb: {  	v25 =	vperm.xlane v8, v16;
	v20 =	vperm.xlane v1, v16;
	[tilespmem:s9+$0x280] =	vst v22  }
0xcc: {  	v22 =	vperm.xlane v10, v16;
	[tilespmem:s24+$0x180] =	vst v21;
	v21 =	vperm.xlane v5, v16  }
0xcd: {  	[tilespmem:s24+$0x100] =	vst v19;
	v19 =	vperm.xlane v7, v16;
	v16 =	vperm.xlane v14, v16  }
0xce: {  	[tilespmem:s9+$0x100] =	vst v22  }
0xcf: {  	[tilespmem:s9+$0x300] =	vst v16  }
0xd0: {  	s12 =	sor.u32 $0x10, s12;
	[tilespmem:s24+$0x380] =	vst v19  }
0xd1: {  	s23 =	sadd.s32 s12, s23;
	s11 =	sadd.s32 s12, s11;
	[tilespmem:s24+$0x280] =	vst v21  }
0xd2: {  	[tilespmem:s9+$0x0] =	vst v25  }
0xd3: {  	[tilespmem:s24+$0x200] =	vst v23  }
0xd4: {  	[tilespmem:s24+$0x300] =	vst v24  }
0xd5: {  	[tilespmem:s24+$0x80] =	vst v20  }
0xd6: {  	[tilespmem:s9+$0x180] =	vst v17  }
0xd7: {  	[tilespmem:s9+$0x380] =	vst v18  }
0xd8: {  	v18 =	vld [tilespmem:s23+$0x0];
	_ =	sdelay $0x4  }
0xd9: {  	v16 =	vperm.xlane v0, v18;
	v17 =	vperm.xlane v1, v18  }
0xda: {  	v19 =	vperm.xlane v2, v18;
	v20 =	vperm.xlane v3, v18  }
0xdb: {  	v21 =	vperm.xlane v4, v18;
	v22 =	vperm.xlane v5, v18;
	[tilespmem:s11+$0x0] =	vst v16  }
0xdc: {  	v23 =	vperm.xlane v6, v18;
	v24 =	vperm.xlane v7, v18;
	[tilespmem:s11+$0x100] =	vst v19  }
0xdd: {  	v25 =	vperm.xlane v8, v18;
	v16 =	vperm.xlane v9, v18;
	[tilespmem:s11+$0x180] =	vst v20  }
0xde: {  	v19 =	vperm.xlane v10, v18;
	[tilespmem:s11+$0x80] =	vst v17;
	v17 =	vperm.xlane v11, v18  }
0xdf: {  	v26 =	vperm.xlane v13, v18;
	[tilespmem:s11+$0x280] =	vst v22;
	v22 =	vperm.xlane v12, v18  }
0xe0: {  	v20 =	vperm.xlane v14, v18;
	v18 =	vperm.xlane v15, v18;
	[tilespmem:s11+$0x300] =	vst v23  }
.Ltmp2:
0xe1: {  	[tilespmem:s11+$0x380] =	vst v24;
	(pc) =	sbr.rel @p0 .LBB2_8-.Ltmp2, $4  }
0xe2: {  	s9 =	sadd.s32 s12, s8;
	[tilespmem:s11+$0x200] =	vst v21  }
0xe3: {  	[tilespmem:s9+$0x200] =	vst v22  }
0xe4: {  	[tilespmem:s9+$0x0] =	vst v25  }
0xe5: {  	[tilespmem:s9+$0x280] =	vst v26  }
0xe6: {  	s31 =	sadd.s32 $0x1, s31  }
0xe7: {  	p0 =	sne.s32 s31, $0x4  }
.Ltmp3:
0xe8: {  	[tilespmem:s9+$0x300] =	vst v20;
	(pc) =	sbr.rel @p0 .LBB2_7-.Ltmp3, $4  }
0xe9: {  	[tilespmem:s9+$0x100] =	vst v19  }
0xea: {  	[tilespmem:s9+$0x80] =	vst v16  }
0xeb: {  	[tilespmem:s9+$0x180] =	vst v17  }
0xec: {  	[tilespmem:s9+$0x380] =	vst v18  }
0xed: {  	s0 =	sadd.s32 s29, s2;
	s26 =	sadd.s32 $0x1, s26  }
0xee: {  	s31 =	smin.u32 s28, $0x2E;
	s0 =	sadd.s32 $0x20000, s0;
	p0 =	sne.s32 s26, $0x19  }
0xef: {  	[hbm4b:s0+s18] =	stream.strided.scatter [tilespmem:s22], [sflag:$0x4], $0x8000, s19, s18, $0x38;
	[tilespmem:$0x11100] =	vst v63  }
.Ltmp4:
0xf0: {  	s0 =	sshll.u32 s31, $0x10;
	(pc) =	sbr.rel @p0 .LBB2_2-.Ltmp4, $4  }
0xf1: {  	s0 =	sadd.s32 s10, s0  }
0xf2: {  	s0 =	sshrl.u32 s0, $0x3  }
0xf3: {  	s0 =	sadd.s32 s0, s7  }
0xf4: {  	[tilespmem:s16], [sflag:$0x2] =	stream.strided.gather [hbm4b:s0+s13], $0x800, s14, s13, $0x38;
	[tilespmem:$0x11100] =	vst v63  }
0xf5: {  	_ =	swait.ge [sflag:s17], $0x800  }
0xf6: {  	[sflag:s17] =	ssyncset.done $0x0  }
0xf7: {  	s0 =	simm.s32 $0x3;
	[sflag:s17] =	ssyncadd.s32 $0xFFFFF800  }
0xf8: {  	_ =	swait.ge [sflag:s0], $0x8000  }
0xf9: {  	[sflag:s0] =	ssyncset.done $0x0  }
0xfa: {  	[sflag:s0] =	ssyncadd.s32 $0xFFFF8000  }
0xfb: {  	_ =	swait.ge [sflag:s21], $0x800  }
0xfc: {  	[sflag:s21] =	ssyncset.done $0x0  }
0xfd: {  	s3 =	simm.s32 $0x4;
	[sflag:s21] =	ssyncadd.s32 $0xFFFFF800  }
0xfe: {  	_ =	swait.ge [sflag:s3], $0x8000  }
0xff: {  	s25 =	sadd.s32 $0x1, s25;
	s31 =	rddreg [dreg:$0x7]  }
0x100: {  	p0 =	sne.s32 s25, s31  }
.Ltmp5:
0x101: {  	_ = 	snop;
	(pc) =	sbr.rel @p0 .LBB2_1-.Ltmp5, $3  }
0x102: {  	_ =	sdelay $0x1  }
0x103: {  	[sflag:s3] =	ssyncset.done $0x0  }
0x104: {  	[sflag:s3] =	ssyncadd.s32 $0xFFFF8000  }
0x105: {  	_ =	sfence.sel $0x180000  }
0x106: {  	[bflag:$0x0] =	sbarrier.arrive $0xFFFF  }
0x107: {  	_ =	strace $0x90000047  }
0x108: {  	s0 =	stileid.u32;
	[bflag:$0x2] =	sbarrier.arrive $0xFFFF  }
0x109: {  	p0 =	sne.s32 s0, $0x0;
	s0 =	rddreg [dreg:$0x3]  }
0x10a: {  	s0 =	sadd.s32 @!p0 $0x100000, s0  }
0x10b: {  	[sflag:s0] =	ssyncadd.tile.s32 @!p0 $0x1;
	_ =	shalt  }
.Lfunc_end2:
_tile_overlayer_lowered:
.L_overlay_start_2:
0x10c: {  	(tag) =	ssettag $0x2  }
0x10d: {  	s0 =	rddreg [dreg:$0x0];
	s2 =	stileid.u32  }
0x10e: {  	s1 =	rddreg [dreg:$0x1];
	p0 =	sne.s32 s2, $0x0  }
0x10f: {  	s3 =	rddreg [dreg:$0x2];
	[bflag:$0x3] =	sbarrier.arrive $0xFFFF;
	s2 =	simm.s32 @!p0 $0x1C05  }
0x110: {  	[timem:s3], [sflag:s2] =	dma.local @!p0 [hbm:s0], s1  }
0x111: {  	s0 =	simm.s32 @!p0 $0x5  }
0x112: {  	_ =	swait.ge @!p0 [sflag:s0], s1  }
0x113: {  	s1 =	ssub.s32 @!p0 $0x0, s1;
	[sflag:s0] =	ssyncset.done @!p0 $0x0  }
0x114: {  	[sflag:s0] =	ssyncadd.s32 @!p0 s1  }
0x115: {  	[bflag:$0x3] =	sbarrier.arrive $0xFFFF  }
0x116: {  	_ =	shalt  }

</sc_bundles>
